<compile_context>
chip_gen: v7x
topology: tpu7x:2x2x1
jax: 0.10.2.dev20260603
libtpu: 0.0.44.dev20260713+nightly
codegen_flags: <defaults>
</compile_context>

<pallas_src>
import functools

import jax
import jax.numpy as jnp
from jax import lax
from jax.experimental import pallas as pl
from jax.experimental.pallas import tpu as pltpu
from jax.experimental.pallas import tpu_sc as plsc

N_NODES = 10000
N_EDGES = 320000
D = 128

NC = 2
NS = 16
K = 80
DEGW = 128

ROWS_PER_TILE = N_NODES // NS

DEG_K = 80
DEG_EPT = N_EDGES // NS
DEG_STEPS = DEG_EPT // DEG_K

AGG_K = 128
AGG_EPT = 10240
AGG_STEPS = AGG_EPT // AGG_K
AGG_IB = 16
AGG_NB = AGG_STEPS // AGG_IB
PAD_EDGES = NC * NS * AGG_EPT - N_EDGES
AGG_ROWS = N_NODES + 1024

_MESH = plsc.VectorSubcoreMesh(core_axis_name="c", subcore_axis_name="s")


@functools.partial(
    pl.kernel,
    out_type=jax.ShapeDtypeStruct((NC * NS, ROWS_PER_TILE, DEGW), jnp.float32),
    mesh=_MESH,
    scratch_types=[
        pltpu.VMEM((DEG_STEPS, DEG_K), jnp.int32),
        pltpu.VMEM((DEG_K, DEGW), jnp.float32),
        pltpu.VMEM_SHARED((N_NODES, DEGW), jnp.float32),
    ],
)
def _deg_kernel(idx_hbm, ones_hbm, zeros_hbm, out_hbm, idx_v, ones_v, deg_sh):
    c = lax.axis_index("c")
    s = lax.axis_index("s")
    wid = c * NS + s

    @pl.when(s == 0)
    def _():
        pltpu.sync_copy(zeros_hbm, deg_sh)

    pltpu.sync_copy(idx_hbm.at[wid], idx_v)
    pltpu.sync_copy(ones_hbm, ones_v)
    plsc.subcore_barrier()

    @pl.loop(0, DEG_STEPS)
    def _(j):
        pltpu.sync_copy(ones_v, deg_sh.at[idx_v.at[j]], add=True)

    plsc.subcore_barrier()
    pltpu.sync_copy(deg_sh.at[pl.ds(s * ROWS_PER_TILE, ROWS_PER_TILE)],
                    out_hbm.at[wid])


@functools.partial(
    pl.kernel,
    out_type=jax.ShapeDtypeStruct((NC * NS, ROWS_PER_TILE, D), jnp.float32),
    mesh=_MESH,
    scratch_types=[
        pltpu.VMEM((AGG_IB, AGG_K), jnp.int32),
        pltpu.VMEM((AGG_IB, AGG_K), jnp.int32),
        pltpu.VMEM((AGG_K, D), jnp.float32),
        pltpu.VMEM((AGG_K, D), jnp.float32),
        pltpu.VMEM_SHARED((AGG_ROWS, D), jnp.float32),
        pltpu.SemaphoreType.DMA,
        pltpu.SemaphoreType.DMA,
    ],
)
def _agg_kernel(h_hbm, src_hbm, dst_hbm, zeros_hbm, out_hbm,
                sidx_v, didx_v, rows0_v, rows1_v, agg_sh, sem0, sem1):
    c = lax.axis_index("c")
    s = lax.axis_index("s")
    wid = c * NS + s

    @pl.when(s == 0)
    def _():
        pltpu.sync_copy(zeros_hbm, agg_sh)

    plsc.subcore_barrier()

    @pl.loop(0, AGG_NB)
    def _(blk):
        pltpu.sync_copy(src_hbm.at[wid].at[blk], sidx_v)
        pltpu.sync_copy(dst_hbm.at[wid].at[blk], didx_v)
        pltpu.async_copy(h_hbm.at[sidx_v.at[0]], rows0_v, sem0)

        @pl.loop(0, AGG_IB // 2)
        def _(j2):
            j0 = 2 * j2
            j1 = j0 + 1
            pltpu.async_copy(h_hbm.at[sidx_v.at[j1]], rows1_v, sem1)
            pltpu.make_async_copy(h_hbm.at[sidx_v.at[j0]], rows0_v,
                                  sem0).wait()
            pltpu.sync_copy(rows0_v, agg_sh.at[didx_v.at[j0]], add=True)

            @pl.when(j0 + 2 < AGG_IB)
            def _():
                pltpu.async_copy(h_hbm.at[sidx_v.at[j0 + 2]], rows0_v, sem0)

            pltpu.make_async_copy(h_hbm.at[sidx_v.at[j1]], rows1_v,
                                  sem1).wait()
            pltpu.sync_copy(rows1_v, agg_sh.at[didx_v.at[j1]], add=True)

    plsc.subcore_barrier()
    pltpu.sync_copy(agg_sh.at[pl.ds(s * ROWS_PER_TILE, ROWS_PER_TILE)],
                    out_hbm.at[wid])


_ROWS_BLK = 1000


def _prep_body(feat_ref, deg_ref, w_ref, h_ref):
    deg = deg_ref[0]
    norm = jnp.where(deg > 0.0, lax.rsqrt(jnp.maximum(deg, 1.0)), 0.0)
    x = feat_ref[...] * norm[:, 0:1]
    h_ref[...] = jnp.dot(x, w_ref[...], preferred_element_type=jnp.float32)


def _prep(features, degs, W):
    return pl.pallas_call(
        _prep_body,
        grid=(N_NODES // _ROWS_BLK,),
        in_specs=[
            pl.BlockSpec((_ROWS_BLK, D), lambda i: (i, 0)),
            pl.BlockSpec((1, _ROWS_BLK, DEGW), lambda i: (0, i, 0)),
            pl.BlockSpec((D, D), lambda i: (0, 0)),
        ],
        out_specs=pl.BlockSpec((_ROWS_BLK, D), lambda i: (i, 0)),
        out_shape=jax.ShapeDtypeStruct((N_NODES, D), jnp.float32),
    )(features, degs, W)


def _final_body(agg_ref, deg_ref, b_ref, out_ref):
    a = agg_ref[0] + agg_ref[1]
    deg = deg_ref[0]
    norm = jnp.where(deg > 0.0, lax.rsqrt(jnp.maximum(deg, 1.0)), 0.0)
    y = a * norm[:, 0:1] + b_ref[...]
    out_ref[...] = jnp.where(y > 0.0, y, jnp.exp(jnp.minimum(y, 0.0)) - 1.0)


def _final(aggs, degs, b):
    return pl.pallas_call(
        _final_body,
        grid=(N_NODES // _ROWS_BLK,),
        in_specs=[
            pl.BlockSpec((NC, _ROWS_BLK, D), lambda i: (0, i, 0)),
            pl.BlockSpec((1, _ROWS_BLK, DEGW), lambda i: (1, i, 0)),
            pl.BlockSpec((1, D), lambda i: (0, 0)),
        ],
        out_specs=pl.BlockSpec((_ROWS_BLK, D), lambda i: (i, 0)),
        out_shape=jax.ShapeDtypeStruct((N_NODES, D), jnp.float32),
    )(aggs, degs, b)


@jax.jit
def kernel(features, edge_index, W, b):
    src = edge_index[0].astype(jnp.int32)
    dst = edge_index[1].astype(jnp.int32)

    zeros = jnp.zeros((AGG_ROWS, D), jnp.float32)
    zeros_deg = jnp.zeros((N_NODES, DEGW), jnp.float32)
    idx_all = jnp.stack([src, dst]).reshape(NC * NS, DEG_STEPS, DEG_K)
    ones16 = jnp.ones((DEG_K, DEGW), jnp.float32)
    degs = _deg_kernel(idx_all, ones16, zeros_deg)
    degs = degs.reshape(NC, N_NODES, DEGW)

    h = _prep(features, degs, W)

    src_t = jnp.concatenate(
        [src, jnp.arange(PAD_EDGES, dtype=jnp.int32) % N_NODES]).reshape(
            NC * NS, AGG_NB, AGG_IB, AGG_K)
    dst_t = jnp.concatenate(
        [dst, N_NODES + jnp.arange(PAD_EDGES, dtype=jnp.int32) % 1024]).reshape(
            NC * NS, AGG_NB, AGG_IB, AGG_K)
    aggs = _agg_kernel(h, src_t, dst_t, zeros)
    aggs = aggs.reshape(NC, N_NODES, D)

    return _final(aggs, degs, b.reshape(1, D))

# --- scband reference (transcript-rebuilt; emitter-appended) ---
"""Pipeline reference for scband-gcn-34548716929045 (READ-ONLY COPY).

The authoritative reference and input builder live on the scoring server;
editing this copy changes nothing except your own understanding.
"""

import jax, jax.numpy as jnp
import numpy as np

N_NODES = 10000
N_EDGES = 320000
D_IN = 128
D_OUT = 128


def setup_inputs(seed: int = 0) -> dict:
    key = jax.random.key(seed)
    k1, k2, k3 = jax.random.split(key, 3)
    features = jax.random.normal(k1, (N_NODES, D_IN), dtype=jnp.float32)
    edge_index = jax.random.randint(k2, (2, N_EDGES), 0, N_NODES, dtype=jnp.int64)
    # GraphConv learned parameters (glorot-style init)
    limit = float(np.sqrt(6.0 / (D_IN + D_OUT)))
    W = jax.random.uniform(k3, (D_IN, D_OUT), minval=-limit, maxval=limit, dtype=jnp.float32)
    b = jnp.zeros((D_OUT,), dtype=jnp.float32)
    return {"features": features, "edge_index": edge_index, "W": W, "b": b}


def reference(features, edge_index, W, b):
    # DGL GraphConv with norm='both', followed by ELU activation (GCN wrapper).
    src = edge_index[0]
    dst = edge_index[1]
    ones = jnp.ones((src.shape[0],), dtype=jnp.float32)
    deg_out = jax.ops.segment_sum(ones, src, num_segments=N_NODES)
    deg_in = jax.ops.segment_sum(ones, dst, num_segments=N_NODES)
    norm_out = jnp.where(deg_out > 0, jax.lax.rsqrt(jnp.maximum(deg_out, 1.0)), 0.0)
    norm_in = jnp.where(deg_in > 0, jax.lax.rsqrt(jnp.maximum(deg_in, 1.0)), 0.0)
    # scale source features by D_out^{-1/2}
    h = features * norm_out[:, None]
    # project (in_feats == out_feats; mult-first order is mathematically identical)
    h = h @ W
    # message passing: gather at src, scatter-add at dst
    msgs = h[src]
    agg = jax.ops.segment_sum(msgs, dst, num_segments=N_NODES)
    # scale by D_in^{-1/2}, add bias, apply ELU
    out = agg * norm_in[:, None] + b
    out = jax.nn.elu(out)
    return out

if __name__ == "__main__":
    import jax
    _d = setup_inputs()
    print(jax.jit(kernel)(*tuple(_d.values())))

</pallas_src>

<mosaic_0001>
#map = affine_map<(d0, d1) -> (0, 0, 0)>
#map1 = affine_map<(d0, d1) -> (0, 0)>
module attributes {stable_mosaic.version = 14 : i64} {
  func.func @_deg_kernel(%arg0: i32, %arg1: i32, %arg2: memref<32x250x80xi32, #tpu.memory_space<hbm>>, %arg3: memref<80x128xf32, #tpu.memory_space<hbm>>, %arg4: memref<10000x128xf32, #tpu.memory_space<hbm>>, %arg5: memref<32x625x128xf32, #tpu.memory_space<hbm>>, %arg6: memref<250x80xi32, #tpu.memory_space<vmem>>, %arg7: memref<80x128xf32, #tpu.memory_space<vmem>>, %arg8: memref<10000x128xf32, #tpu.memory_space<vmem_shared>>) attributes {dimension_semantics = [#tpu.dimension_semantics<core_parallel>, #tpu.dimension_semantics<subcore_parallel>], iteration_bounds = array<i64: 2, 16>, scalar_prefetch = 0 : i64, scratch_operands = 3 : i64, tpu.core_type = #tpu.core_type<sc_vector_subcore>, window_params = [{transform_indices = #map}, {transform_indices = #map1}, {transform_indices = #map1}, {transform_indices = #map}]} {
    %mul3A = arith.constant 16 : i32
    %mul3A_0 = arith.muli %arg0, %mul3A : i32
    %add3A = arith.addi %mul3A_0, %arg1 : i32
    %eq3A = arith.constant 0 : i32
    %eq3A_1 = arith.cmpi eq, %arg1, %eq3A : i32
    %convert_element_type3A = arith.extui %eq3A_1 : i1 to i32
    %cond3A = arith.constant 0 : i32
    %cond3A_2 = arith.cmpi ne, %convert_element_type3A, %cond3A : i32
    scf.if %cond3A_2 {
      "tpu.region"() ({
        %run_scoped3A = tpu.sem_alloc : memref<!tpu.dma_semaphore, #tpu.memory_space<semaphore_mem>>
        tpu.enqueue_dma source(%arg4 : memref<10000x128xf32, #tpu.memory_space<hbm>>) target(%arg8 : memref<10000x128xf32, #tpu.memory_space<vmem_shared>>) target_semaphore(%run_scoped3A : memref<!tpu.dma_semaphore, #tpu.memory_space<semaphore_mem>>)
        tpu.wait_dma2 semaphore(%run_scoped3A : memref<!tpu.dma_semaphore, #tpu.memory_space<semaphore_mem>>) src(%arg4 : memref<10000x128xf32, #tpu.memory_space<hbm>>) dst(%arg8 : memref<10000x128xf32, #tpu.memory_space<vmem_shared>>)
        tpu.yield
      }) : () -> ()
    } else {
    }
    "tpu.region"() ({
      %run_scoped3A = tpu.sem_alloc : memref<!tpu.dma_semaphore, #tpu.memory_space<semaphore_mem>>
      %dma_start3A = arith.constant 0 : i32
      %dma_start3A_10 = arith.constant 0 : i32
      %dma_start3A_11 = tpu.memref_slice %arg2[%add3A, %dma_start3A, %dma_start3A_10] : memref<32x250x80xi32, #tpu.memory_space<hbm>> -> memref<1x250x80xi32, #tpu.memory_space<hbm>>
      %dma_start3A_12 = tpu.memref_squeeze %dma_start3A_11 : memref<1x250x80xi32, #tpu.memory_space<hbm>> -> memref<250x80xi32, #tpu.memory_space<hbm>>
      %dma_start3A_13 = arith.constant 0 : i32
      %dma_start3A_14 = arith.constant 0 : i32
      %dma_start3A_15 = tpu.memref_slice %arg2[%add3A, %dma_start3A_13, %dma_start3A_14] : memref<32x250x80xi32, #tpu.memory_space<hbm>> -> memref<1x250x80xi32, #tpu.memory_space<hbm>>
      %dma_start3A_16 = tpu.memref_squeeze %dma_start3A_15 : memref<1x250x80xi32, #tpu.memory_space<hbm>> -> memref<250x80xi32, #tpu.memory_space<hbm>>
      tpu.enqueue_dma source(%dma_start3A_16 : memref<250x80xi32, #tpu.memory_space<hbm>>) target(%arg6 : memref<250x80xi32, #tpu.memory_space<vmem>>) target_semaphore(%run_scoped3A : memref<!tpu.dma_semaphore, #tpu.memory_space<semaphore_mem>>)
      %dma_wait3A = arith.constant 0 : i32
      %dma_wait3A_17 = arith.constant 0 : i32
      %dma_wait3A_18 = tpu.memref_slice %arg2[%add3A, %dma_wait3A, %dma_wait3A_17] : memref<32x250x80xi32, #tpu.memory_space<hbm>> -> memref<1x250x80xi32, #tpu.memory_space<hbm>>
      %dma_wait3A_19 = tpu.memref_squeeze %dma_wait3A_18 : memref<1x250x80xi32, #tpu.memory_space<hbm>> -> memref<250x80xi32, #tpu.memory_space<hbm>>
      %dma_wait3A_20 = arith.constant 0 : i32
      %dma_wait3A_21 = arith.constant 0 : i32
      %dma_wait3A_22 = tpu.memref_slice %arg2[%add3A, %dma_wait3A_20, %dma_wait3A_21] : memref<32x250x80xi32, #tpu.memory_space<hbm>> -> memref<1x250x80xi32, #tpu.memory_space<hbm>>
      %dma_wait3A_23 = tpu.memref_squeeze %dma_wait3A_22 : memref<1x250x80xi32, #tpu.memory_space<hbm>> -> memref<250x80xi32, #tpu.memory_space<hbm>>
      tpu.wait_dma2 semaphore(%run_scoped3A : memref<!tpu.dma_semaphore, #tpu.memory_space<semaphore_mem>>) src(%dma_wait3A_23 : memref<250x80xi32, #tpu.memory_space<hbm>>) dst(%arg6 : memref<250x80xi32, #tpu.memory_space<vmem>>)
      tpu.yield
    }) : () -> ()
    "tpu.region"() ({
      %run_scoped3A = tpu.sem_alloc : memref<!tpu.dma_semaphore, #tpu.memory_space<semaphore_mem>>
      tpu.enqueue_dma source(%arg3 : memref<80x128xf32, #tpu.memory_space<hbm>>) target(%arg7 : memref<80x128xf32, #tpu.memory_space<vmem>>) target_semaphore(%run_scoped3A : memref<!tpu.dma_semaphore, #tpu.memory_space<semaphore_mem>>)
      tpu.wait_dma2 semaphore(%run_scoped3A : memref<!tpu.dma_semaphore, #tpu.memory_space<semaphore_mem>>) src(%arg3 : memref<80x128xf32, #tpu.memory_space<hbm>>) dst(%arg7 : memref<80x128xf32, #tpu.memory_space<vmem>>)
      tpu.yield
    }) : () -> ()
    %barrier3A = arith.constant 0 : index
    tpu.barrier barrier_id(%barrier3A)
    %scan3A = arith.constant 0 : i32
    %scan3A_3 = arith.constant 250 : i32
    %scan3A_4 = arith.addi %scan3A, %scan3A_3 : i32
    %scan3A_5 = arith.constant 1 : i32
    scf.for %scan3A_10 = %scan3A to %scan3A_4 step %scan3A_5  : i32 {
      %mul3A_11 = arith.constant 1 : i32
      %mul3A_12 = arith.muli %scan3A_10, %mul3A_11 : i32
      %add3A_13 = arith.constant 0 : i32
      %add3A_14 = arith.addi %add3A_13, %mul3A_12 : i32
      "tpu.region"() ({
        %run_scoped3A = tpu.sem_alloc : memref<!tpu.dma_semaphore, #tpu.memory_space<semaphore_mem>>
        %dma_start3A = arith.constant 0 : i32
        %dma_start3A_15 = tpu.memref_slice %arg6[%add3A_14, %dma_start3A] : memref<250x80xi32, #tpu.memory_space<vmem>> -> memref<1x80xi32, #tpu.memory_space<vmem>>
        %dma_start3A_16 = tpu.memref_squeeze %dma_start3A_15 : memref<1x80xi32, #tpu.memory_space<vmem>> -> memref<80xi32, #tpu.memory_space<vmem>>
        %dma_start3A_17 = arith.constant 0 : i32
        %dma_start3A_18 = arith.constant 0 : i32
        %dma_start3A_19 = tpu.memref_slice %arg8[%dma_start3A_17, %dma_start3A_18] : memref<10000x128xf32, #tpu.memory_space<vmem_shared>> -> memref<10000x128xf32, #tpu.memory_space<vmem_shared>>
        tpu.enqueue_indirect_dma source(%arg7 : memref<80x128xf32, #tpu.memory_space<vmem>>) target(%dma_start3A_19 : memref<10000x128xf32, #tpu.memory_space<vmem_shared>>) offsets(%dma_start3A_16 : memref<80xi32, #tpu.memory_space<vmem>>) semaphore(%run_scoped3A : memref<!tpu.dma_semaphore, #tpu.memory_space<semaphore_mem>>) {add = true}
        %dma_wait3A = arith.constant 0 : i32
        %dma_wait3A_20 = tpu.memref_slice %arg6[%add3A_14, %dma_wait3A] : memref<250x80xi32, #tpu.memory_space<vmem>> -> memref<1x80xi32, #tpu.memory_space<vmem>>
        %dma_wait3A_21 = tpu.memref_squeeze %dma_wait3A_20 : memref<1x80xi32, #tpu.memory_space<vmem>> -> memref<80xi32, #tpu.memory_space<vmem>>
        %dma_wait3A_22 = arith.constant 0 : i32
        %dma_wait3A_23 = arith.constant 0 : i32
        %dma_wait3A_24 = tpu.memref_slice %arg8[%dma_wait3A_22, %dma_wait3A_23] : memref<10000x128xf32, #tpu.memory_space<vmem_shared>> -> memref<10000x128xf32, #tpu.memory_space<vmem_shared>>
        tpu.wait_indirect_dma semaphore(%run_scoped3A : memref<!tpu.dma_semaphore, #tpu.memory_space<semaphore_mem>>) src(%arg7 : memref<80x128xf32, #tpu.memory_space<vmem>>) dst(%dma_wait3A_24 : memref<10000x128xf32, #tpu.memory_space<vmem_shared>>)
        tpu.yield
      }) : () -> ()
    }
    %scan3A_6 = arith.constant 250 : i32
    %barrier3A_7 = arith.constant 0 : index
    tpu.barrier barrier_id(%barrier3A_7)
    %mul3A_8 = arith.constant 625 : i32
    %mul3A_9 = arith.muli %arg1, %mul3A_8 : i32
    "tpu.region"() ({
      %run_scoped3A = tpu.sem_alloc : memref<!tpu.dma_semaphore, #tpu.memory_space<semaphore_mem>>
      %dma_start3A = arith.constant 0 : i32
      %dma_start3A_10 = arith.constant 0 : i32
      %dma_start3A_11 = tpu.memref_slice %arg5[%add3A, %dma_start3A, %dma_start3A_10] : memref<32x625x128xf32, #tpu.memory_space<hbm>> -> memref<1x625x128xf32, #tpu.memory_space<hbm>>
      %dma_start3A_12 = tpu.memref_squeeze %dma_start3A_11 : memref<1x625x128xf32, #tpu.memory_space<hbm>> -> memref<625x128xf32, #tpu.memory_space<hbm>>
      %dma_start3A_13 = arith.constant 0 : i32
      %dma_start3A_14 = tpu.memref_slice %arg8[%mul3A_9, %dma_start3A_13] : memref<10000x128xf32, #tpu.memory_space<vmem_shared>> -> memref<625x128xf32, #tpu.memory_space<vmem_shared>>
      tpu.enqueue_dma source(%dma_start3A_14 : memref<625x128xf32, #tpu.memory_space<vmem_shared>>) target(%dma_start3A_12 : memref<625x128xf32, #tpu.memory_space<hbm>>) target_semaphore(%run_scoped3A : memref<!tpu.dma_semaphore, #tpu.memory_space<semaphore_mem>>)
      %dma_wait3A = arith.constant 0 : i32
      %dma_wait3A_15 = arith.constant 0 : i32
      %dma_wait3A_16 = tpu.memref_slice %arg5[%add3A, %dma_wait3A, %dma_wait3A_15] : memref<32x625x128xf32, #tpu.memory_space<hbm>> -> memref<1x625x128xf32, #tpu.memory_space<hbm>>
      %dma_wait3A_17 = tpu.memref_squeeze %dma_wait3A_16 : memref<1x625x128xf32, #tpu.memory_space<hbm>> -> memref<625x128xf32, #tpu.memory_space<hbm>>
      %dma_wait3A_18 = arith.constant 0 : i32
      %dma_wait3A_19 = tpu.memref_slice %arg8[%mul3A_9, %dma_wait3A_18] : memref<10000x128xf32, #tpu.memory_space<vmem_shared>> -> memref<625x128xf32, #tpu.memory_space<vmem_shared>>
      tpu.wait_dma2 semaphore(%run_scoped3A : memref<!tpu.dma_semaphore, #tpu.memory_space<semaphore_mem>>) src(%dma_wait3A_19 : memref<625x128xf32, #tpu.memory_space<vmem_shared>>) dst(%dma_wait3A_17 : memref<625x128xf32, #tpu.memory_space<hbm>>)
      tpu.yield
    }) : () -> ()
    return
  }
}

#map = affine_map<(d0, d1) -> (0, 0)>
#map1 = affine_map<(d0, d1) -> (0, 0, 0, 0)>
#map2 = affine_map<(d0, d1) -> (0, 0, 0)>
module attributes {stable_mosaic.version = 14 : i64} {
  func.func @_agg_kernel(%arg0: i32, %arg1: i32, %arg2: memref<10000x128xf32, #tpu.memory_space<hbm>>, %arg3: memref<32x5x16x128xi32, #tpu.memory_space<hbm>>, %arg4: memref<32x5x16x128xi32, #tpu.memory_space<hbm>>, %arg5: memref<11024x128xf32, #tpu.memory_space<hbm>>, %arg6: memref<32x625x128xf32, #tpu.memory_space<hbm>>, %arg7: memref<16x128xi32, #tpu.memory_space<vmem>>, %arg8: memref<16x128xi32, #tpu.memory_space<vmem>>, %arg9: memref<128x128xf32, #tpu.memory_space<vmem>>, %arg10: memref<128x128xf32, #tpu.memory_space<vmem>>, %arg11: memref<11024x128xf32, #tpu.memory_space<vmem_shared>>, %arg12: memref<!tpu.dma_semaphore, #tpu.memory_space<semaphore_mem>>, %arg13: memref<!tpu.dma_semaphore, #tpu.memory_space<semaphore_mem>>) attributes {dimension_semantics = [#tpu.dimension_semantics<core_parallel>, #tpu.dimension_semantics<subcore_parallel>], iteration_bounds = array<i64: 2, 16>, scalar_prefetch = 0 : i64, scratch_operands = 7 : i64, tpu.core_type = #tpu.core_type<sc_vector_subcore>, window_params = [{transform_indices = #map}, {transform_indices = #map1}, {transform_indices = #map1}, {transform_indices = #map}, {transform_indices = #map2}]} {
    %mul3A = arith.constant 16 : i32
    %mul3A_0 = arith.muli %arg0, %mul3A : i32
    %add3A = arith.addi %mul3A_0, %arg1 : i32
    %eq3A = arith.constant 0 : i32
    %eq3A_1 = arith.cmpi eq, %arg1, %eq3A : i32
    %convert_element_type3A = arith.extui %eq3A_1 : i1 to i32
    %cond3A = arith.constant 0 : i32
    %cond3A_2 = arith.cmpi ne, %convert_element_type3A, %cond3A : i32
    scf.if %cond3A_2 {
      "tpu.region"() ({
        %run_scoped3A = tpu.sem_alloc : memref<!tpu.dma_semaphore, #tpu.memory_space<semaphore_mem>>
        tpu.enqueue_dma source(%arg5 : memref<11024x128xf32, #tpu.memory_space<hbm>>) target(%arg11 : memref<11024x128xf32, #tpu.memory_space<vmem_shared>>) target_semaphore(%run_scoped3A : memref<!tpu.dma_semaphore, #tpu.memory_space<semaphore_mem>>)
        tpu.wait_dma2 semaphore(%run_scoped3A : memref<!tpu.dma_semaphore, #tpu.memory_space<semaphore_mem>>) src(%arg5 : memref<11024x128xf32, #tpu.memory_space<hbm>>) dst(%arg11 : memref<11024x128xf32, #tpu.memory_space<vmem_shared>>)
        tpu.yield
      }) : () -> ()
    } else {
    }
    %barrier3A = arith.constant 0 : index
    tpu.barrier barrier_id(%barrier3A)
    %scan3A = arith.constant 0 : i32
    %scan3A_3 = arith.constant 5 : i32
    %scan3A_4 = arith.addi %scan3A, %scan3A_3 : i32
    %scan3A_5 = arith.constant 1 : i32
    scf.for %scan3A_10 = %scan3A to %scan3A_4 step %scan3A_5  : i32 {
      %mul3A_11 = arith.constant 1 : i32
      %mul3A_12 = arith.muli %scan3A_10, %mul3A_11 : i32
      %add3A_13 = arith.constant 0 : i32
      %add3A_14 = arith.addi %add3A_13, %mul3A_12 : i32
      "tpu.region"() ({
        %run_scoped3A = tpu.sem_alloc : memref<!tpu.dma_semaphore, #tpu.memory_space<semaphore_mem>>
        %dma_start3A_26 = arith.constant 0 : i32
        %dma_start3A_27 = arith.constant 0 : i32
        %dma_start3A_28 = arith.constant 0 : i32
        %dma_start3A_29 = tpu.memref_slice %arg3[%add3A, %dma_start3A_26, %dma_start3A_27, %dma_start3A_28] : memref<32x5x16x128xi32, #tpu.memory_space<hbm>> -> memref<1x5x16x128xi32, #tpu.memory_space<hbm>>
        %dma_start3A_30 = tpu.memref_squeeze %dma_start3A_29 : memref<1x5x16x128xi32, #tpu.memory_space<hbm>> -> memref<5x16x128xi32, #tpu.memory_space<hbm>>
        %dma_start3A_31 = arith.constant 0 : i32
        %dma_start3A_32 = arith.constant 0 : i32
        %dma_start3A_33 = tpu.memref_slice %dma_start3A_30[%add3A_14, %dma_start3A_31, %dma_start3A_32] : memref<5x16x128xi32, #tpu.memory_space<hbm>> -> memref<1x16x128xi32, #tpu.memory_space<hbm>>
        %dma_start3A_34 = tpu.memref_squeeze %dma_start3A_33 : memref<1x16x128xi32, #tpu.memory_space<hbm>> -> memref<16x128xi32, #tpu.memory_space<hbm>>
        %dma_start3A_35 = arith.constant 0 : i32
        %dma_start3A_36 = arith.constant 0 : i32
        %dma_start3A_37 = arith.constant 0 : i32
        %dma_start3A_38 = tpu.memref_slice %arg3[%add3A, %dma_start3A_35, %dma_start3A_36, %dma_start3A_37] : memref<32x5x16x128xi32, #tpu.memory_space<hbm>> -> memref<1x5x16x128xi32, #tpu.memory_space<hbm>>
        %dma_start3A_39 = tpu.memref_squeeze %dma_start3A_38 : memref<1x5x16x128xi32, #tpu.memory_space<hbm>> -> memref<5x16x128xi32, #tpu.memory_space<hbm>>
        %dma_start3A_40 = arith.constant 0 : i32
        %dma_start3A_41 = arith.constant 0 : i32
        %dma_start3A_42 = tpu.memref_slice %dma_start3A_39[%add3A_14, %dma_start3A_40, %dma_start3A_41] : memref<5x16x128xi32, #tpu.memory_space<hbm>> -> memref<1x16x128xi32, #tpu.memory_space<hbm>>
        %dma_start3A_43 = tpu.memref_squeeze %dma_start3A_42 : memref<1x16x128xi32, #tpu.memory_space<hbm>> -> memref<16x128xi32, #tpu.memory_space<hbm>>
        tpu.enqueue_dma source(%dma_start3A_43 : memref<16x128xi32, #tpu.memory_space<hbm>>) target(%arg7 : memref<16x128xi32, #tpu.memory_space<vmem>>) target_semaphore(%run_scoped3A : memref<!tpu.dma_semaphore, #tpu.memory_space<semaphore_mem>>)
        %dma_wait3A = arith.constant 0 : i32
        %dma_wait3A_44 = arith.constant 0 : i32
        %dma_wait3A_45 = arith.constant 0 : i32
        %dma_wait3A_46 = tpu.memref_slice %arg3[%add3A, %dma_wait3A, %dma_wait3A_44, %dma_wait3A_45] : memref<32x5x16x128xi32, #tpu.memory_space<hbm>> -> memref<1x5x16x128xi32, #tpu.memory_space<hbm>>
        %dma_wait3A_47 = tpu.memref_squeeze %dma_wait3A_46 : memref<1x5x16x128xi32, #tpu.memory_space<hbm>> -> memref<5x16x128xi32, #tpu.memory_space<hbm>>
        %dma_wait3A_48 = arith.constant 0 : i32
        %dma_wait3A_49 = arith.constant 0 : i32
        %dma_wait3A_50 = tpu.memref_slice %dma_wait3A_47[%add3A_14, %dma_wait3A_48, %dma_wait3A_49] : memref<5x16x128xi32, #tpu.memory_space<hbm>> -> memref<1x16x128xi32, #tpu.memory_space<hbm>>
        %dma_wait3A_51 = tpu.memref_squeeze %dma_wait3A_50 : memref<1x16x128xi32, #tpu.memory_space<hbm>> -> memref<16x128xi32, #tpu.memory_space<hbm>>
        %dma_wait3A_52 = arith.constant 0 : i32
        %dma_wait3A_53 = arith.constant 0 : i32
        %dma_wait3A_54 = arith.constant 0 : i32
        %dma_wait3A_55 = tpu.memref_slice %arg3[%add3A, %dma_wait3A_52, %dma_wait3A_53, %dma_wait3A_54] : memref<32x5x16x128xi32, #tpu.memory_space<hbm>> -> memref<1x5x16x128xi32, #tpu.memory_space<hbm>>
        %dma_wait3A_56 = tpu.memref_squeeze %dma_wait3A_55 : memref<1x5x16x128xi32, #tpu.memory_space<hbm>> -> memref<5x16x128xi32, #tpu.memory_space<hbm>>
        %dma_wait3A_57 = arith.constant 0 : i32
        %dma_wait3A_58 = arith.constant 0 : i32
        %dma_wait3A_59 = tpu.memref_slice %dma_wait3A_56[%add3A_14, %dma_wait3A_57, %dma_wait3A_58] : memref<5x16x128xi32, #tpu.memory_space<hbm>> -> memref<1x16x128xi32, #tpu.memory_space<hbm>>
        %dma_wait3A_60 = tpu.memref_squeeze %dma_wait3A_59 : memref<1x16x128xi32, #tpu.memory_space<hbm>> -> memref<16x128xi32, #tpu.memory_space<hbm>>
        tpu.wait_dma2 semaphore(%run_scoped3A : memref<!tpu.dma_semaphore, #tpu.memory_space<semaphore_mem>>) src(%dma_wait3A_60 : memref<16x128xi32, #tpu.memory_space<hbm>>) dst(%arg7 : memref<16x128xi32, #tpu.memory_space<vmem>>)
        tpu.yield
      }) : () -> ()
      "tpu.region"() ({
        %run_scoped3A = tpu.sem_alloc : memref<!tpu.dma_semaphore, #tpu.memory_space<semaphore_mem>>
        %dma_start3A_26 = arith.constant 0 : i32
        %dma_start3A_27 = arith.constant 0 : i32
        %dma_start3A_28 = arith.constant 0 : i32
        %dma_start3A_29 = tpu.memref_slice %arg4[%add3A, %dma_start3A_26, %dma_start3A_27, %dma_start3A_28] : memref<32x5x16x128xi32, #tpu.memory_space<hbm>> -> memref<1x5x16x128xi32, #tpu.memory_space<hbm>>
        %dma_start3A_30 = tpu.memref_squeeze %dma_start3A_29 : memref<1x5x16x128xi32, #tpu.memory_space<hbm>> -> memref<5x16x128xi32, #tpu.memory_space<hbm>>
        %dma_start3A_31 = arith.constant 0 : i32
        %dma_start3A_32 = arith.constant 0 : i32
        %dma_start3A_33 = tpu.memref_slice %dma_start3A_30[%add3A_14, %dma_start3A_31, %dma_start3A_32] : memref<5x16x128xi32, #tpu.memory_space<hbm>> -> memref<1x16x128xi32, #tpu.memory_space<hbm>>
        %dma_start3A_34 = tpu.memref_squeeze %dma_start3A_33 : memref<1x16x128xi32, #tpu.memory_space<hbm>> -> memref<16x128xi32, #tpu.memory_space<hbm>>
        %dma_start3A_35 = arith.constant 0 : i32
        %dma_start3A_36 = arith.constant 0 : i32
        %dma_start3A_37 = arith.constant 0 : i32
        %dma_start3A_38 = tpu.memref_slice %arg4[%add3A, %dma_start3A_35, %dma_start3A_36, %dma_start3A_37] : memref<32x5x16x128xi32, #tpu.memory_space<hbm>> -> memref<1x5x16x128xi32, #tpu.memory_space<hbm>>
        %dma_start3A_39 = tpu.memref_squeeze %dma_start3A_38 : memref<1x5x16x128xi32, #tpu.memory_space<hbm>> -> memref<5x16x128xi32, #tpu.memory_space<hbm>>
        %dma_start3A_40 = arith.constant 0 : i32
        %dma_start3A_41 = arith.constant 0 : i32
        %dma_start3A_42 = tpu.memref_slice %dma_start3A_39[%add3A_14, %dma_start3A_40, %dma_start3A_41] : memref<5x16x128xi32, #tpu.memory_space<hbm>> -> memref<1x16x128xi32, #tpu.memory_space<hbm>>
        %dma_start3A_43 = tpu.memref_squeeze %dma_start3A_42 : memref<1x16x128xi32, #tpu.memory_space<hbm>> -> memref<16x128xi32, #tpu.memory_space<hbm>>
        tpu.enqueue_dma source(%dma_start3A_43 : memref<16x128xi32, #tpu.memory_space<hbm>>) target(%arg8 : memref<16x128xi32, #tpu.memory_space<vmem>>) target_semaphore(%run_scoped3A : memref<!tpu.dma_semaphore, #tpu.memory_space<semaphore_mem>>)
        %dma_wait3A = arith.constant 0 : i32
        %dma_wait3A_44 = arith.constant 0 : i32
        %dma_wait3A_45 = arith.constant 0 : i32
        %dma_wait3A_46 = tpu.memref_slice %arg4[%add3A, %dma_wait3A, %dma_wait3A_44, %dma_wait3A_45] : memref<32x5x16x128xi32, #tpu.memory_space<hbm>> -> memref<1x5x16x128xi32, #tpu.memory_space<hbm>>
        %dma_wait3A_47 = tpu.memref_squeeze %dma_wait3A_46 : memref<1x5x16x128xi32, #tpu.memory_space<hbm>> -> memref<5x16x128xi32, #tpu.memory_space<hbm>>
        %dma_wait3A_48 = arith.constant 0 : i32
        %dma_wait3A_49 = arith.constant 0 : i32
        %dma_wait3A_50 = tpu.memref_slice %dma_wait3A_47[%add3A_14, %dma_wait3A_48, %dma_wait3A_49] : memref<5x16x128xi32, #tpu.memory_space<hbm>> -> memref<1x16x128xi32, #tpu.memory_space<hbm>>
        %dma_wait3A_51 = tpu.memref_squeeze %dma_wait3A_50 : memref<1x16x128xi32, #tpu.memory_space<hbm>> -> memref<16x128xi32, #tpu.memory_space<hbm>>
        %dma_wait3A_52 = arith.constant 0 : i32
        %dma_wait3A_53 = arith.constant 0 : i32
        %dma_wait3A_54 = arith.constant 0 : i32
        %dma_wait3A_55 = tpu.memref_slice %arg4[%add3A, %dma_wait3A_52, %dma_wait3A_53, %dma_wait3A_54] : memref<32x5x16x128xi32, #tpu.memory_space<hbm>> -> memref<1x5x16x128xi32, #tpu.memory_space<hbm>>
        %dma_wait3A_56 = tpu.memref_squeeze %dma_wait3A_55 : memref<1x5x16x128xi32, #tpu.memory_space<hbm>> -> memref<5x16x128xi32, #tpu.memory_space<hbm>>
        %dma_wait3A_57 = arith.constant 0 : i32
        %dma_wait3A_58 = arith.constant 0 : i32
        %dma_wait3A_59 = tpu.memref_slice %dma_wait3A_56[%add3A_14, %dma_wait3A_57, %dma_wait3A_58] : memref<5x16x128xi32, #tpu.memory_space<hbm>> -> memref<1x16x128xi32, #tpu.memory_space<hbm>>
        %dma_wait3A_60 = tpu.memref_squeeze %dma_wait3A_59 : memref<1x16x128xi32, #tpu.memory_space<hbm>> -> memref<16x128xi32, #tpu.memory_space<hbm>>
        tpu.wait_dma2 semaphore(%run_scoped3A : memref<!tpu.dma_semaphore, #tpu.memory_space<semaphore_mem>>) src(%dma_wait3A_60 : memref<16x128xi32, #tpu.memory_space<hbm>>) dst(%arg8 : memref<16x128xi32, #tpu.memory_space<vmem>>)
        tpu.yield
      }) : () -> ()
      %dma_start3A = arith.constant 0 : i32
      %dma_start3A_15 = arith.constant 0 : i32
      %dma_start3A_16 = tpu.memref_slice %arg7[%dma_start3A, %dma_start3A_15] : memref<16x128xi32, #tpu.memory_space<vmem>> -> memref<1x128xi32, #tpu.memory_space<vmem>>
      %dma_start3A_17 = tpu.memref_squeeze %dma_start3A_16 : memref<1x128xi32, #tpu.memory_space<vmem>> -> memref<128xi32, #tpu.memory_space<vmem>>
      %dma_start3A_18 = arith.constant 0 : i32
      %dma_start3A_19 = arith.constant 0 : i32
      %dma_start3A_20 = tpu.memref_slice %arg2[%dma_start3A_18, %dma_start3A_19] : memref<10000x128xf32, #tpu.memory_space<hbm>> -> memref<10000x128xf32, #tpu.memory_space<hbm>>
      tpu.enqueue_indirect_dma source(%dma_start3A_20 : memref<10000x128xf32, #tpu.memory_space<hbm>>) target(%arg9 : memref<128x128xf32, #tpu.memory_space<vmem>>) offsets(%dma_start3A_17 : memref<128xi32, #tpu.memory_space<vmem>>) semaphore(%arg12 : memref<!tpu.dma_semaphore, #tpu.memory_space<semaphore_mem>>)
      %scan3A_21 = arith.constant 0 : i32
      %scan3A_22 = arith.constant 8 : i32
      %scan3A_23 = arith.addi %scan3A_21, %scan3A_22 : i32
      %scan3A_24 = arith.constant 1 : i32
      scf.for %scan3A_26 = %scan3A_21 to %scan3A_23 step %scan3A_24  : i32 {
        %mul3A_27 = arith.constant 1 : i32
        %mul3A_28 = arith.muli %scan3A_26, %mul3A_27 : i32
        %add3A_29 = arith.constant 0 : i32
        %add3A_30 = arith.addi %add3A_29, %mul3A_28 : i32
        %mul3A_31 = arith.constant 2 : i32
        %mul3A_32 = arith.muli %mul3A_31, %add3A_30 : i32
        %add3A_33 = arith.constant 1 : i32
        %add3A_34 = arith.addi %mul3A_32, %add3A_33 : i32
        %dma_start3A_35 = arith.constant 0 : i32
        %dma_start3A_36 = tpu.memref_slice %arg7[%add3A_34, %dma_start3A_35] : memref<16x128xi32, #tpu.memory_space<vmem>> -> memref<1x128xi32, #tpu.memory_space<vmem>>
        %dma_start3A_37 = tpu.memref_squeeze %dma_start3A_36 : memref<1x128xi32, #tpu.memory_space<vmem>> -> memref<128xi32, #tpu.memory_space<vmem>>
        %dma_start3A_38 = arith.constant 0 : i32
        %dma_start3A_39 = arith.constant 0 : i32
        %dma_start3A_40 = tpu.memref_slice %arg2[%dma_start3A_38, %dma_start3A_39] : memref<10000x128xf32, #tpu.memory_space<hbm>> -> memref<10000x128xf32, #tpu.memory_space<hbm>>
        tpu.enqueue_indirect_dma source(%dma_start3A_40 : memref<10000x128xf32, #tpu.memory_space<hbm>>) target(%arg10 : memref<128x128xf32, #tpu.memory_space<vmem>>) offsets(%dma_start3A_37 : memref<128xi32, #tpu.memory_space<vmem>>) semaphore(%arg13 : memref<!tpu.dma_semaphore, #tpu.memory_space<semaphore_mem>>)
        %dma_wait3A = arith.constant 0 : i32
        %dma_wait3A_41 = tpu.memref_slice %arg7[%mul3A_32, %dma_wait3A] : memref<16x128xi32, #tpu.memory_space<vmem>> -> memref<1x128xi32, #tpu.memory_space<vmem>>
        %dma_wait3A_42 = tpu.memref_squeeze %dma_wait3A_41 : memref<1x128xi32, #tpu.memory_space<vmem>> -> memref<128xi32, #tpu.memory_space<vmem>>
        %dma_wait3A_43 = arith.constant 0 : i32
        %dma_wait3A_44 = arith.constant 0 : i32
        %dma_wait3A_45 = tpu.memref_slice %arg2[%dma_wait3A_43, %dma_wait3A_44] : memref<10000x128xf32, #tpu.memory_space<hbm>> -> memref<10000x128xf32, #tpu.memory_space<hbm>>
        tpu.wait_indirect_dma semaphore(%arg12 : memref<!tpu.dma_semaphore, #tpu.memory_space<semaphore_mem>>) src(%dma_wait3A_45 : memref<10000x128xf32, #tpu.memory_space<hbm>>) dst(%arg9 : memref<128x128xf32, #tpu.memory_space<vmem>>)
        "tpu.region"() ({
          %run_scoped3A = tpu.sem_alloc : memref<!tpu.dma_semaphore, #tpu.memory_space<semaphore_mem>>
          %dma_start3A_58 = arith.constant 0 : i32
          %dma_start3A_59 = tpu.memref_slice %arg8[%mul3A_32, %dma_start3A_58] : memref<16x128xi32, #tpu.memory_space<vmem>> -> memref<1x128xi32, #tpu.memory_space<vmem>>
          %dma_start3A_60 = tpu.memref_squeeze %dma_start3A_59 : memref<1x128xi32, #tpu.memory_space<vmem>> -> memref<128xi32, #tpu.memory_space<vmem>>
          %dma_start3A_61 = arith.constant 0 : i32
          %dma_start3A_62 = arith.constant 0 : i32
          %dma_start3A_63 = tpu.memref_slice %arg11[%dma_start3A_61, %dma_start3A_62] : memref<11024x128xf32, #tpu.memory_space<vmem_shared>> -> memref<11024x128xf32, #tpu.memory_space<vmem_shared>>
          tpu.enqueue_indirect_dma source(%arg9 : memref<128x128xf32, #tpu.memory_space<vmem>>) target(%dma_start3A_63 : memref<11024x128xf32, #tpu.memory_space<vmem_shared>>) offsets(%dma_start3A_60 : memref<128xi32, #tpu.memory_space<vmem>>) semaphore(%run_scoped3A : memref<!tpu.dma_semaphore, #tpu.memory_space<semaphore_mem>>) {add = true}
          %dma_wait3A_64 = arith.constant 0 : i32
          %dma_wait3A_65 = tpu.memref_slice %arg8[%mul3A_32, %dma_wait3A_64] : memref<16x128xi32, #tpu.memory_space<vmem>> -> memref<1x128xi32, #tpu.memory_space<vmem>>
          %dma_wait3A_66 = tpu.memref_squeeze %dma_wait3A_65 : memref<1x128xi32, #tpu.memory_space<vmem>> -> memref<128xi32, #tpu.memory_space<vmem>>
          %dma_wait3A_67 = arith.constant 0 : i32
          %dma_wait3A_68 = arith.constant 0 : i32
          %dma_wait3A_69 = tpu.memref_slice %arg11[%dma_wait3A_67, %dma_wait3A_68] : memref<11024x128xf32, #tpu.memory_space<vmem_shared>> -> memref<11024x128xf32, #tpu.memory_space<vmem_shared>>
          tpu.wait_indirect_dma semaphore(%run_scoped3A : memref<!tpu.dma_semaphore, #tpu.memory_space<semaphore_mem>>) src(%arg9 : memref<128x128xf32, #tpu.memory_space<vmem>>) dst(%dma_wait3A_69 : memref<11024x128xf32, #tpu.memory_space<vmem_shared>>)
          tpu.yield
        }) : () -> ()
        %add3A_46 = arith.constant 2 : i32
        %add3A_47 = arith.addi %mul3A_32, %add3A_46 : i32
        %lt3A = arith.constant 16 : i32
        %lt3A_48 = arith.cmpi slt, %add3A_47, %lt3A : i32
        %convert_element_type3A_49 = arith.extui %lt3A_48 : i1 to i32
        %cond3A_50 = arith.constant 0 : i32
        %cond3A_51 = arith.cmpi ne, %convert_element_type3A_49, %cond3A_50 : i32
        scf.if %cond3A_51 {
          %add3A_58 = arith.constant 2 : i32
          %add3A_59 = arith.addi %mul3A_32, %add3A_58 : i32
          %dma_start3A_60 = arith.constant 0 : i32
          %dma_start3A_61 = tpu.memref_slice %arg7[%add3A_59, %dma_start3A_60] : memref<16x128xi32, #tpu.memory_space<vmem>> -> memref<1x128xi32, #tpu.memory_space<vmem>>
          %dma_start3A_62 = tpu.memref_squeeze %dma_start3A_61 : memref<1x128xi32, #tpu.memory_space<vmem>> -> memref<128xi32, #tpu.memory_space<vmem>>
          %dma_start3A_63 = arith.constant 0 : i32
          %dma_start3A_64 = arith.constant 0 : i32
          %dma_start3A_65 = tpu.memref_slice %arg2[%dma_start3A_63, %dma_start3A_64] : memref<10000x128xf32, #tpu.memory_space<hbm>> -> memref<10000x128xf32, #tpu.memory_space<hbm>>
          tpu.enqueue_indirect_dma source(%dma_start3A_65 : memref<10000x128xf32, #tpu.memory_space<hbm>>) target(%arg9 : memref<128x128xf32, #tpu.memory_space<vmem>>) offsets(%dma_start3A_62 : memref<128xi32, #tpu.memory_space<vmem>>) semaphore(%arg12 : memref<!tpu.dma_semaphore, #tpu.memory_space<semaphore_mem>>)
        } else {
        }
        %dma_wait3A_52 = arith.constant 0 : i32
        %dma_wait3A_53 = tpu.memref_slice %arg7[%add3A_34, %dma_wait3A_52] : memref<16x128xi32, #tpu.memory_space<vmem>> -> memref<1x128xi32, #tpu.memory_space<vmem>>
        %dma_wait3A_54 = tpu.memref_squeeze %dma_wait3A_53 : memref<1x128xi32, #tpu.memory_space<vmem>> -> memref<128xi32, #tpu.memory_space<vmem>>
        %dma_wait3A_55 = arith.constant 0 : i32
        %dma_wait3A_56 = arith.constant 0 : i32
        %dma_wait3A_57 = tpu.memref_slice %arg2[%dma_wait3A_55, %dma_wait3A_56] : memref<10000x128xf32, #tpu.memory_space<hbm>> -> memref<10000x128xf32, #tpu.memory_space<hbm>>
        tpu.wait_indirect_dma semaphore(%arg13 : memref<!tpu.dma_semaphore, #tpu.memory_space<semaphore_mem>>) src(%dma_wait3A_57 : memref<10000x128xf32, #tpu.memory_space<hbm>>) dst(%arg10 : memref<128x128xf32, #tpu.memory_space<vmem>>)
        "tpu.region"() ({
          %run_scoped3A = tpu.sem_alloc : memref<!tpu.dma_semaphore, #tpu.memory_space<semaphore_mem>>
          %dma_start3A_58 = arith.constant 0 : i32
          %dma_start3A_59 = tpu.memref_slice %arg8[%add3A_34, %dma_start3A_58] : memref<16x128xi32, #tpu.memory_space<vmem>> -> memref<1x128xi32, #tpu.memory_space<vmem>>
          %dma_start3A_60 = tpu.memref_squeeze %dma_start3A_59 : memref<1x128xi32, #tpu.memory_space<vmem>> -> memref<128xi32, #tpu.memory_space<vmem>>
          %dma_start3A_61 = arith.constant 0 : i32
          %dma_start3A_62 = arith.constant 0 : i32
          %dma_start3A_63 = tpu.memref_slice %arg11[%dma_start3A_61, %dma_start3A_62] : memref<11024x128xf32, #tpu.memory_space<vmem_shared>> -> memref<11024x128xf32, #tpu.memory_space<vmem_shared>>
          tpu.enqueue_indirect_dma source(%arg10 : memref<128x128xf32, #tpu.memory_space<vmem>>) target(%dma_start3A_63 : memref<11024x128xf32, #tpu.memory_space<vmem_shared>>) offsets(%dma_start3A_60 : memref<128xi32, #tpu.memory_space<vmem>>) semaphore(%run_scoped3A : memref<!tpu.dma_semaphore, #tpu.memory_space<semaphore_mem>>) {add = true}
          %dma_wait3A_64 = arith.constant 0 : i32
          %dma_wait3A_65 = tpu.memref_slice %arg8[%add3A_34, %dma_wait3A_64] : memref<16x128xi32, #tpu.memory_space<vmem>> -> memref<1x128xi32, #tpu.memory_space<vmem>>
          %dma_wait3A_66 = tpu.memref_squeeze %dma_wait3A_65 : memref<1x128xi32, #tpu.memory_space<vmem>> -> memref<128xi32, #tpu.memory_space<vmem>>
          %dma_wait3A_67 = arith.constant 0 : i32
          %dma_wait3A_68 = arith.constant 0 : i32
          %dma_wait3A_69 = tpu.memref_slice %arg11[%dma_wait3A_67, %dma_wait3A_68] : memref<11024x128xf32, #tpu.memory_space<vmem_shared>> -> memref<11024x128xf32, #tpu.memory_space<vmem_shared>>
          tpu.wait_indirect_dma semaphore(%run_scoped3A : memref<!tpu.dma_semaphore, #tpu.memory_space<semaphore_mem>>) src(%arg10 : memref<128x128xf32, #tpu.memory_space<vmem>>) dst(%dma_wait3A_69 : memref<11024x128xf32, #tpu.memory_space<vmem_shared>>)
          tpu.yield
        }) : () -> ()
      }
      %scan3A_25 = arith.constant 8 : i32
    }
    %scan3A_6 = arith.constant 5 : i32
    %barrier3A_7 = arith.constant 0 : index
    tpu.barrier barrier_id(%barrier3A_7)
    %mul3A_8 = arith.constant 625 : i32
    %mul3A_9 = arith.muli %arg1, %mul3A_8 : i32
    "tpu.region"() ({
      %run_scoped3A = tpu.sem_alloc : memref<!tpu.dma_semaphore, #tpu.memory_space<semaphore_mem>>
      %dma_start3A = arith.constant 0 : i32
      %dma_start3A_10 = arith.constant 0 : i32
      %dma_start3A_11 = tpu.memref_slice %arg6[%add3A, %dma_start3A, %dma_start3A_10] : memref<32x625x128xf32, #tpu.memory_space<hbm>> -> memref<1x625x128xf32, #tpu.memory_space<hbm>>
      %dma_start3A_12 = tpu.memref_squeeze %dma_start3A_11 : memref<1x625x128xf32, #tpu.memory_space<hbm>> -> memref<625x128xf32, #tpu.memory_space<hbm>>
      %dma_start3A_13 = arith.constant 0 : i32
      %dma_start3A_14 = tpu.memref_slice %arg11[%mul3A_9, %dma_start3A_13] : memref<11024x128xf32, #tpu.memory_space<vmem_shared>> -> memref<625x128xf32, #tpu.memory_space<vmem_shared>>
      tpu.enqueue_dma source(%dma_start3A_14 : memref<625x128xf32, #tpu.memory_space<vmem_shared>>) target(%dma_start3A_12 : memref<625x128xf32, #tpu.memory_space<hbm>>) target_semaphore(%run_scoped3A : memref<!tpu.dma_semaphore, #tpu.memory_space<semaphore_mem>>)
      %dma_wait3A = arith.constant 0 : i32
      %dma_wait3A_15 = arith.constant 0 : i32
      %dma_wait3A_16 = tpu.memref_slice %arg6[%add3A, %dma_wait3A, %dma_wait3A_15] : memref<32x625x128xf32, #tpu.memory_space<hbm>> -> memref<1x625x128xf32, #tpu.memory_space<hbm>>
      %dma_wait3A_17 = tpu.memref_squeeze %dma_wait3A_16 : memref<1x625x128xf32, #tpu.memory_space<hbm>> -> memref<625x128xf32, #tpu.memory_space<hbm>>
      %dma_wait3A_18 = arith.constant 0 : i32
      %dma_wait3A_19 = tpu.memref_slice %arg11[%mul3A_9, %dma_wait3A_18] : memref<11024x128xf32, #tpu.memory_space<vmem_shared>> -> memref<625x128xf32, #tpu.memory_space<vmem_shared>>
      tpu.wait_dma2 semaphore(%run_scoped3A : memref<!tpu.dma_semaphore, #tpu.memory_space<semaphore_mem>>) src(%dma_wait3A_19 : memref<625x128xf32, #tpu.memory_space<vmem_shared>>) dst(%dma_wait3A_17 : memref<625x128xf32, #tpu.memory_space<hbm>>)
      tpu.yield
    }) : () -> ()
    return
  }
}

module attributes {stable_mosaic.version = 14 : i64} {
  func.func @_prep_body(%arg0: i32, %arg1: memref<1000x128xf32, #tpu.memory_space<vmem>>, %arg2: memref<1x1000x128xf32, #tpu.memory_space<vmem>>, %arg3: memref<128x128xf32, #tpu.memory_space<vmem>>, %arg4: memref<1000x128xf32, #tpu.memory_space<vmem>>) attributes {dimension_semantics = [#tpu.dimension_semantics<arbitrary>], iteration_bounds = array<i64: 10>, scalar_prefetch = 0 : i64, scratch_operands = 0 : i64, tpu.core_type = #tpu.core_type<tc>, window_params = [{transform_indices = @transform_0, window_bounds = array<i64: 1000, 128>}, {transform_indices = @transform_1, window_bounds = array<i64: 1, 1000, 128>}, {pipeline_mode = #tpu.pipeline_mode<synchronous>, transform_indices = @transform_2, window_bounds = array<i64: 128, 128>}, {transform_indices = @transform_3, window_bounds = array<i64: 1000, 128>}]} {
    %get3A = arith.constant 0 : index
    %get3A_0 = arith.constant 0 : index
    %get3A_1 = arith.constant 0 : index
    %get3A_2 = vector.load %arg2[%get3A, %get3A_0, %get3A_1] : memref<1x1000x128xf32, #tpu.memory_space<vmem>>, vector<1x1000x128xf32>
    %get3A_3 = vector.shape_cast %get3A_2 : vector<1x1000x128xf32> to vector<1000x128xf32>
    %gt3A = arith.constant 0.000000e+00 : f32
    %gt3A_4 = vector.broadcast %gt3A : f32 to vector<1000x128xf32>
    %gt3A_5 = arith.cmpf ogt, %get3A_3, %gt3A_4 : vector<1000x128xf32>
    %max3A = arith.constant 1.000000e+00 : f32
    %max3A_6 = vector.broadcast %max3A : f32 to vector<1000x128xf32>
    %max3A_7 = arith.maximumf %get3A_3, %max3A_6 : vector<1000x128xf32>
    %rsqrt3A = math.rsqrt %max3A_7 : vector<1000x128xf32>
    %jit3A = arith.constant 0.000000e+00 : f32
    %broadcast_in_dim3A = vector.broadcast %jit3A : f32 to vector<1000x128xf32>
    %select_n3A = arith.select %gt3A_5, %rsqrt3A, %broadcast_in_dim3A : vector<1000x128xi1>, vector<1000x128xf32>
    %get3A_8 = arith.constant 0 : index
    %get3A_9 = arith.constant 0 : index
    %get3A_10 = vector.load %arg1[%get3A_8, %get3A_9] : memref<1000x128xf32, #tpu.memory_space<vmem>>, vector<1000x128xf32>
    %slice3A = vector.extract_strided_slice %select_n3A {offsets = [0, 0], sizes = [1000, 1], strides = [1, 1]} : vector<1000x128xf32> to vector<1000x1xf32>
    %mul3A = vector.broadcast %slice3A : vector<1000x1xf32> to vector<1000x128xf32>
    %mul3A_11 = arith.mulf %get3A_10, %mul3A : vector<1000x128xf32>
    %get3A_12 = arith.constant 0 : index
    %get3A_13 = arith.constant 0 : index
    %get3A_14 = vector.load %arg3[%get3A_12, %get3A_13] : memref<128x128xf32, #tpu.memory_space<vmem>>, vector<128x128xf32>
    %dot_general3A = arith.constant dense<0.000000e+00> : vector<1000x128xf32>
    %dot_general3A_15 = tpu.matmul %mul3A_11, %get3A_14, %dot_general3A {dimension_numbers = #tpu.dot_dimension_numbers<[1], [0], [0], [1], [0, 0, 1, 1], [], []>, transpose_lhs_hint = false} : vector<1000x128xf32>, vector<128x128xf32>, vector<1000x128xf32> -> vector<1000x128xf32>
    %swap3A = arith.constant 0 : index
    %swap3A_16 = arith.constant 0 : index
    %swap3A_17 = vector.load %arg4[%swap3A, %swap3A_16] : memref<1000x128xf32, #tpu.memory_space<vmem>>, vector<1000x128xf32>
    tpu.vector_store %arg4[%swap3A, %swap3A_16], %dot_general3A_15 {strides = array<i32>} : memref<1000x128xf32, #tpu.memory_space<vmem>>, vector<1000x128xf32>,
    return
  }
  func.func @transform_0(%arg0: i32) -> (i32, i32) {
    %c0_i32 = arith.constant 0 : i32
    %c0_i32_0 = arith.constant 0 : i32
    return %arg0, %c0_i32 : i32, i32
  }
  func.func @transform_1(%arg0: i32) -> (i32, i32, i32) {
    %c0_i32 = arith.constant 0 : i32
    %c0_i32_0 = arith.constant 0 : i32
    %c0_i32_1 = arith.constant 0 : i32
    return %c0_i32, %arg0, %c0_i32_0 : i32, i32, i32
  }
  func.func @transform_2(%arg0: i32) -> (i32, i32) {
    %c0_i32 = arith.constant 0 : i32
    %c0_i32_0 = arith.constant 0 : i32
    %c0_i32_1 = arith.constant 0 : i32
    return %c0_i32, %c0_i32_0 : i32, i32
  }
  func.func @transform_3(%arg0: i32) -> (i32, i32) {
    %c0_i32 = arith.constant 0 : i32
    %c0_i32_0 = arith.constant 0 : i32
    return %arg0, %c0_i32 : i32, i32
  }
}

module attributes {stable_mosaic.version = 14 : i64} {
  func.func @_final_body(%arg0: i32, %arg1: memref<2x1000x128xf32, #tpu.memory_space<vmem>>, %arg2: memref<1x1000x128xf32, #tpu.memory_space<vmem>>, %arg3: memref<1x128xf32, #tpu.memory_space<vmem>>, %arg4: memref<1000x128xf32, #tpu.memory_space<vmem>>) attributes {dimension_semantics = [#tpu.dimension_semantics<arbitrary>], iteration_bounds = array<i64: 10>, scalar_prefetch = 0 : i64, scratch_operands = 0 : i64, tpu.core_type = #tpu.core_type<tc>, window_params = [{transform_indices = @transform_0, window_bounds = array<i64: 2, 1000, 128>}, {transform_indices = @transform_1, window_bounds = array<i64: 1, 1000, 128>}, {pipeline_mode = #tpu.pipeline_mode<synchronous>, transform_indices = @transform_2, window_bounds = array<i64: 1, 128>}, {transform_indices = @transform_3, window_bounds = array<i64: 1000, 128>}]} {
    %get3A = arith.constant 0 : index
    %get3A_0 = arith.constant 0 : index
    %get3A_1 = arith.constant 0 : index
    %get3A_2 = vector.load %arg1[%get3A, %get3A_0, %get3A_1] : memref<2x1000x128xf32, #tpu.memory_space<vmem>>, vector<1x1000x128xf32>
    %get3A_3 = vector.shape_cast %get3A_2 : vector<1x1000x128xf32> to vector<1000x128xf32>
    %get3A_4 = arith.constant 1 : index
    %get3A_5 = arith.constant 0 : index
    %get3A_6 = arith.constant 0 : index
    %get3A_7 = vector.load %arg1[%get3A_4, %get3A_5, %get3A_6] : memref<2x1000x128xf32, #tpu.memory_space<vmem>>, vector<1x1000x128xf32>
    %get3A_8 = vector.shape_cast %get3A_7 : vector<1x1000x128xf32> to vector<1000x128xf32>
    %add3A = arith.addf %get3A_3, %get3A_8 : vector<1000x128xf32>
    %get3A_9 = arith.constant 0 : index
    %get3A_10 = arith.constant 0 : index
    %get3A_11 = arith.constant 0 : index
    %get3A_12 = vector.load %arg2[%get3A_9, %get3A_10, %get3A_11] : memref<1x1000x128xf32, #tpu.memory_space<vmem>>, vector<1x1000x128xf32>
    %get3A_13 = vector.shape_cast %get3A_12 : vector<1x1000x128xf32> to vector<1000x128xf32>
    %gt3A = arith.constant 0.000000e+00 : f32
    %gt3A_14 = vector.broadcast %gt3A : f32 to vector<1000x128xf32>
    %gt3A_15 = arith.cmpf ogt, %get3A_13, %gt3A_14 : vector<1000x128xf32>
    %max3A = arith.constant 1.000000e+00 : f32
    %max3A_16 = vector.broadcast %max3A : f32 to vector<1000x128xf32>
    %max3A_17 = arith.maximumf %get3A_13, %max3A_16 : vector<1000x128xf32>
    %rsqrt3A = math.rsqrt %max3A_17 : vector<1000x128xf32>
    %jit3A = arith.constant 0.000000e+00 : f32
    %broadcast_in_dim3A = vector.broadcast %jit3A : f32 to vector<1000x128xf32>
    %select_n3A = arith.select %gt3A_15, %rsqrt3A, %broadcast_in_dim3A : vector<1000x128xi1>, vector<1000x128xf32>
    %slice3A = vector.extract_strided_slice %select_n3A {offsets = [0, 0], sizes = [1000, 1], strides = [1, 1]} : vector<1000x128xf32> to vector<1000x1xf32>
    %mul3A = vector.broadcast %slice3A : vector<1000x1xf32> to vector<1000x128xf32>
    %mul3A_18 = arith.mulf %add3A, %mul3A : vector<1000x128xf32>
    %get3A_19 = arith.constant 0 : index
    %get3A_20 = arith.constant 0 : index
    %get3A_21 = vector.load %arg3[%get3A_19, %get3A_20] : memref<1x128xf32, #tpu.memory_space<vmem>>, vector<1x128xf32>
    %add3A_22 = vector.broadcast %get3A_21 : vector<1x128xf32> to vector<1000x128xf32>
    %add3A_23 = arith.addf %mul3A_18, %add3A_22 : vector<1000x128xf32>
    %gt3A_24 = arith.constant 0.000000e+00 : f32
    %gt3A_25 = vector.broadcast %gt3A_24 : f32 to vector<1000x128xf32>
    %gt3A_26 = arith.cmpf ogt, %add3A_23, %gt3A_25 : vector<1000x128xf32>
    %min3A = arith.constant 0.000000e+00 : f32
    %min3A_27 = vector.broadcast %min3A : f32 to vector<1000x128xf32>
    %min3A_28 = arith.minimumf %add3A_23, %min3A_27 : vector<1000x128xf32>
    %exp3A = math.exp %min3A_28 : vector<1000x128xf32>
    %sub3A = arith.constant 1.000000e+00 : f32
    %sub3A_29 = vector.broadcast %sub3A : f32 to vector<1000x128xf32>
    %sub3A_30 = arith.subf %exp3A, %sub3A_29 : vector<1000x128xf32>
    %select_n3A_31 = arith.select %gt3A_26, %add3A_23, %sub3A_30 : vector<1000x128xi1>, vector<1000x128xf32>
    %swap3A = arith.constant 0 : index
    %swap3A_32 = arith.constant 0 : index
    %swap3A_33 = vector.load %arg4[%swap3A, %swap3A_32] : memref<1000x128xf32, #tpu.memory_space<vmem>>, vector<1000x128xf32>
    tpu.vector_store %arg4[%swap3A, %swap3A_32], %select_n3A_31 {strides = array<i32>} : memref<1000x128xf32, #tpu.memory_space<vmem>>, vector<1000x128xf32>,
    return
  }
  func.func @transform_0(%arg0: i32) -> (i32, i32, i32) {
    %c0_i32 = arith.constant 0 : i32
    %c0_i32_0 = arith.constant 0 : i32
    %c0_i32_1 = arith.constant 0 : i32
    return %c0_i32, %arg0, %c0_i32_0 : i32, i32, i32
  }
  func.func @transform_1(%arg0: i32) -> (i32, i32, i32) {
    %c1_i32 = arith.constant 1 : i32
    %c0_i32 = arith.constant 0 : i32
    %c0_i32_0 = arith.constant 0 : i32
    return %c1_i32, %arg0, %c0_i32 : i32, i32, i32
  }
  func.func @transform_2(%arg0: i32) -> (i32, i32) {
    %c0_i32 = arith.constant 0 : i32
    %c0_i32_0 = arith.constant 0 : i32
    %c0_i32_1 = arith.constant 0 : i32
    return %c0_i32, %c0_i32_0 : i32, i32
  }
  func.func @transform_3(%arg0: i32) -> (i32, i32) {
    %c0_i32 = arith.constant 0 : i32
    %c0_i32_0 = arith.constant 0 : i32
    return %arg0, %c0_i32 : i32, i32
  }
}

</mosaic_0001>

<sc_bundles>
// kernel: kernel.6.cloned.1.call-start
scs
__scs_entry_jumppad:
0x0: {  	(pc) =	sbr.rel $0x88, $3  }
0x1: {  	(tag) =	ssettag $0x0;
	lr =	simm.s32 $0x1  }
0x2: {  	[smem:$0x3F9D] =	sst lr;
	_ =	strace $0xD0000000  }
0x3: {  	_ = 	snop  }
0x4: {  	_ = 	snop  }
0x5: {  	_ = 	snop  }
0x6: {  	_ = 	snop  }
0x7: {  	_ = 	snop  }
__scs_overlays_trampoline_lowered:
0x8: {  	[smem:$0x3FAC] =	sst s0  }
0x9: {  	[smem:$0x3FAD] =	sst s1  }
0xa: {  	[smem:$0x3FAE] =	sst s2  }
0xb: {  	[smem:$0x3FAF] =	sst s3  }
0xc: {  	[smem:$0x3FB0] =	sst s4  }
0xd: {  	[smem:$0x3FB1] =	sst s5  }
0xe: {  	[smem:$0x3FB2] =	sst s6  }
0xf: {  	[smem:$0x3FB3] =	sst s7  }
0x10: {  	[smem:$0x3FB4] =	sst s8  }
0x11: {  	[smem:$0x3FB5] =	sst s9;
	s0 =	simm.s32 @!p0 $0x0  }
0x12: {  	s1 =	sld [smem:$0x3F9B];
	s0 =	simm.s32 @p0 $0x1  }
0x13: {  	[smem:$0x3FB6] =	sst s0;
	s0 =	simm.s32 @!p1 $0x0  }
0x14: {  	s2 =	sld [smem:$0x3F9A];
	s0 =	simm.s32 @p1 $0x1  }
0x15: {  	[smem:$0x3FB7] =	sst s0;
	s0 =	simm.s32 @!p2 $0x0  }
0x16: {  	s3 =	sld [smem:$0x3FDB];
	s0 =	simm.s32 @p2 $0x1  }
0x17: {  	s4 =	simm.s32 $0x1BF5;
	[smem:$0x3FB9] =	sst s0  }
0x18: {  	s0 =	sld [smem:$0x3F9C];
	_ =	swait.ge [sflag:s4], $0x0  }
0x19: {  	s7 =	sld [smem:$0x3F9D]  }
0x1a: {  	s8 =	sadd.s32 $0xFFFFE003, lr  }
0x1b: {  	s9 =	sadd.s32 $0xFFFFFEF7, lr;
	s5 =	simm.s32 $0xFFFFFFFF;
	p2 =	slt.u32 s8, $0xFFFFF086  }
0x1c: {  	p1 =	slt.u32 s9, $0xF7A;
	s5 =	simm.s32 @!p2 $0x0  }
0x1d: {  	s5 =	simm.s32 @p1 $0x1;
	p0 =	seq.s32 s7, s2  }
0x1e: {  	s7 =	smul.u32 @!p0 $0xF7A, s2;
	p2 =	seq.s32 @!p0 s5, $0x0  }
0x1f: {  	s9 =	smul.u32 $0xF7A, s1;
	s8 =	simm.s32 @!p0 $0x1BF5;
	p2 =	por !p2, p0  }
0x20: {  	[sflag:s8] =	ssyncset.s32 @!p0 $0xFFFFF086;
	s6 =	sadd.s32 @!p0 s3, s7;
	s7 =	simm.s32 @!p0 $0x108  }
0x21: {  	s3 =	sadd.s32 s3, s9;
	s6 =	sadd.s32 @!p0 $0x88, s6;
	s7 =	simm.s32 @p2 $0x1082  }
0x22: {  	[simem:s7], [sflag:s8] =	dma.local @!p0 [hbm:s6], $0xF7A  }
0x23: {  	s9 =	sor.u32 $0xD0000000, s2;
	s6 =	simm.s32 $0x108;
	_ =	swait.ge @!p0 [sflag:s8], $0x0  }
0x24: {  	s3 =	sadd.s32 $0x88, s3;
	s6 =	simm.s32 @!p1 $0x1082;
	[sflag:s4] =	ssyncset.s32 $0xFFFFF086  }
0x25: {  	[simem:s6], [sflag:s4] =	dma.local [hbm:s3], $0xF7A  }
0x26: {  	[smem:$0x3F9D] =	sst s1;
	(tag) =	ssettag s2;
	_ =	strace s9  }
0x27: {  	s1 =	sld [smem:$0x3FAD]  }
0x28: {  	s2 =	sld [smem:$0x3FAE]  }
0x29: {  	s4 =	sld [smem:$0x3FB0]  }
0x2a: {  	p0 =	seq.s32 s5, $0x0;
	s5 =	sld [smem:$0x3FB1]  }
0x2b: {  	s6 =	sld [smem:$0x3FB2]  }
0x2c: {  	s7 =	sld [smem:$0x3FB3]  }
0x2d: {  	s3 =	simm.s32 $0x108;
	s8 =	sld [smem:$0x3FB4]  }
0x2e: {  	s3 =	simm.s32 @!p0 $0x1082;
	s9 =	sld [smem:$0x3FB5]  }
0x2f: {  	lr =	sadd.s32 s0, s3;
	s0 =	sld [smem:$0x3FAC]  }
0x30: {  	s3 =	sld [smem:$0x3FAF]  }
0x31: {  	[smem:$0x3FB8] =	sst s10  }
0x32: {  	s10 =	sld [smem:$0x3FB6];
	_ =	sdelay $0x3  }
0x33: {  	p0 =	seq.s32 s10, $0x1;
	s10 =	sld [smem:$0x3FB8];
	_ =	sdelay $0x3  }
0x34: {  	[smem:$0x3FB8] =	sst s10  }
0x35: {  	s10 =	sld [smem:$0x3FB7];
	_ =	sdelay $0x3  }
0x36: {  	p1 =	seq.s32 s10, $0x1;
	s10 =	sld [smem:$0x3FB8];
	_ =	sdelay $0x3  }
0x37: {  	[smem:$0x3FB8] =	sst s10  }
0x38: {  	s10 =	sld [smem:$0x3FB9]  }
0x39: {  	_ = 	snop;
	(pc) =	sbr.ind lr, $3  }
0x3a: {  	_ = 	snop  }
0x3b: {  	_ = 	snop  }
0x3c: {  	p2 =	seq.s32 s10, $0x1;
	s10 =	sld [smem:$0x3FB8]  }
0x3d: {  	_ =	shalt  }
0x3e: {  	_ =	shalt  }
0x3f: {  	_ =	shalt  }
0x40: {  	_ =	shalt  }
0x41: {  	_ =	shalt  }
0x42: {  	_ =	shalt  }
0x43: {  	_ =	shalt  }
0x44: {  	_ =	shalt  }
0x45: {  	_ =	shalt  }
0x46: {  	_ =	shalt  }
0x47: {  	_ =	shalt  }
0x48: {  	_ =	shalt  }
0x49: {  	_ =	shalt  }
0x4a: {  	_ =	shalt  }
0x4b: {  	_ =	shalt  }
0x4c: {  	_ =	shalt  }
0x4d: {  	_ =	shalt  }
0x4e: {  	_ =	shalt  }
0x4f: {  	_ =	shalt  }
0x50: {  	_ =	shalt  }
0x51: {  	_ =	shalt  }
0x52: {  	_ =	shalt  }
0x53: {  	_ =	shalt  }
0x54: {  	_ =	shalt  }
0x55: {  	_ =	shalt  }
0x56: {  	_ =	shalt  }
0x57: {  	_ =	shalt  }
0x58: {  	_ =	shalt  }
0x59: {  	_ =	shalt  }
0x5a: {  	_ =	shalt  }
0x5b: {  	_ =	shalt  }
0x5c: {  	_ =	shalt  }
0x5d: {  	_ =	shalt  }
0x5e: {  	_ =	shalt  }
0x5f: {  	_ =	shalt  }
0x60: {  	_ =	shalt  }
0x61: {  	_ =	shalt  }
0x62: {  	_ =	shalt  }
0x63: {  	_ =	shalt  }
0x64: {  	_ =	shalt  }
0x65: {  	_ =	shalt  }
0x66: {  	_ =	shalt  }
0x67: {  	_ =	shalt  }
0x68: {  	_ =	shalt  }
0x69: {  	_ =	shalt  }
0x6a: {  	_ =	shalt  }
0x6b: {  	_ =	shalt  }
0x6c: {  	_ =	shalt  }
0x6d: {  	_ =	shalt  }
0x6e: {  	_ =	shalt  }
0x6f: {  	_ =	shalt  }
0x70: {  	_ =	shalt  }
0x71: {  	_ =	shalt  }
0x72: {  	_ =	shalt  }
0x73: {  	_ =	shalt  }
0x74: {  	_ =	shalt  }
0x75: {  	_ =	shalt  }
0x76: {  	_ =	shalt  }
0x77: {  	_ =	shalt  }
0x78: {  	_ =	shalt  }
0x79: {  	_ =	shalt  }
0x7a: {  	_ =	shalt  }
0x7b: {  	_ =	shalt  }
0x7c: {  	_ =	shalt  }
0x7d: {  	_ =	shalt  }
0x7e: {  	_ =	shalt  }
0x7f: {  	_ =	shalt  }
0x80: {  	_ =	shalt  }
0x81: {  	_ =	shalt  }
0x82: {  	_ =	shalt  }
0x83: {  	_ =	shalt  }
0x84: {  	_ =	shalt  }
0x85: {  	_ =	shalt  }
0x86: {  	_ =	shalt  }
0x87: {  	_ =	shalt  }
.Lfunc_end0:
.L_simem_size_0:
called_computation_lowered:
.L_overlay_start_0:
0x88: {  	s2 =	sld [smem:$0x3FD9]  }
0x89: {  	s3 =	sld [smem:$0x3FFE];
	_ =	sdelay $0x1  }
0x8a: {  	s1 =	srdreg.scid  }
0x8b: {  	s0 =	sand.u32 $0x1, s1  }
0x8c: {  	s17 =	sshll.u32 s0, $0xA;
	s2 =	sadd.s32 s3, s2  }
0x8d: {  	s2 =	sadd.s32 s2, s17  }
0x8e: {  	[smem:$0x3FC4] =	sst s2  }
0x8f: {  	_ = 	snop  }
0x90: {  	s2 =	sld [smem:$0x3FD0];
	(tm) =	ssettm $0x1  }
0x91: {  	s18 =	sld [smem:$0x3FFB];
	_ =	sdelay $0x3  }
0x92: {  	_ =	strace s18  }
0x93: {  	s3 =	sld [smem:$0x3FFC];
	_ =	sdelay $0x3  }
0x94: {  	_ =	strace s3  }
0x95: {  	s3 =	sld [smem:$0x3FFD];
	_ =	sdelay $0x3  }
0x96: {  	_ =	strace s3  }
0x97: {  	_ =	strace $0x8FFFFFFF  }
0x98: {  	s19 =	sld [smem:$0x3FDB];
	_ =	sdelay $0x1  }
0x99: {  	s4 =	simm.s32 $_scs_section_size  }
0x9a: {  	s5 =	simm.s32 $_size__tile_overlayer_lowered;
	s6 =	simm.s32 $_tile_overlayer_lowered  }
0x9b: {  	s22 =	simm.s32 $0x1BFF;
	s21 =	sshll.u32 s6, $0x1;
	s3 =	sadd.s32 s4, s19  }
0x9c: {  	s7 =	simm.s32 $0x0;
	s20 =	sshll.u32 s5, $0x1;
	s5 =	sadd.s32 s21, s3  }
0x9d: {  	[timem:s7], [sflag:s22] =	dma.local [hbm:s5], s20  }
0x9e: {  	_ =	swait.ge [sflag:s22], s20  }
0x9f: {  	s4 =	ssub.s32 $0x0, s20;
	[sflag:s22] =	ssyncset.done $0x0  }
0xa0: {  	[sflag:s22] =	ssyncadd.s32 s4;
	_ =	sdelay $0x1  }
0xa1: {  	s23 =	simm.s32 $0x1B8B  }
0xa2: {  	_ =	swait.ge [sflag:s23], $0x1  }
0xa3: {  	[sflag:s23] =	ssyncset.done $0x0  }
0xa4: {  	s25 =	simm.s32 $0x1B8E;
	s24 =	sld [smem:$0x3FFE];
	[sflag:s23] =	ssyncadd.s32 $0xFFFFFFFF  }
0xa5: {  	s26 =	simm.s32 $execute0_lowered;
	[smem:$0x3FD2] =	sst s25  }
0xa6: {  	s5 =	sshll.u32 s26, $0x1;
	_ =	strace $0x80000046;
	[dreg:$0x1] =	wrdreg $0xFFFFFFFF  }
0xa7: {  	s28 =	simm.s32 $_size_execute0_lowered;
	s3 =	sadd.s32 s3, s5;
	[dreg:$0x0] =	wrdreg $0x0  }
0xa8: {  	s5 =	sshll.u32 s28, $0x1;
	[dreg:$0x2] =	wrdreg s3  }
0xa9: {  	[dreg:$0x3] =	wrdreg s5  }
0xaa: {  	[dreg:$0x4] =	wrdreg $0xC0  }
0xab: {  	_ =	task [dreg:s7], $0x5FFFF  }
0xac: {  	[dreg:$0x1] =	wrdreg $0xFFFFFFFF  }
0xad: {  	[dreg:$0x0] =	wrdreg $0x60  }
0xae: {  	[dreg:$0x2] =	wrdreg s24  }
0xaf: {  	[dreg:$0x3] =	wrdreg s2  }
0xb0: {  	[dreg:$0x4] =	wrdreg $0xA8000  }
0xb1: {  	[dreg:$0x5] =	wrdreg $0x9  }
0xb2: {  	_ =	task.clear_ibuf [dreg:s7], $0x6FFFF;
	_ =	strace $0x90000046  }
0xb3: {  	s29 =	simm.s32 $0x9;
	_ =	strace $0x80000048  }
0xb4: {  	_ =	swait.ge [sflag:s29], $0x1  }
0xb5: {  	[sflag:s29] =	ssyncadd.s32 $0xFFFFFFFF  }
0xb6: {  	_ =	strace $0x90000048  }
0xb7: {  	_ =	sfence  }
0xb8: {  	s30 =	sld [smem:$0x0];
	_ =	sdelay $0x2  }
0xb9: {  	s31 =	sshll.u32 s1, $0xD;
	s1 =	sshrl.u32 s1, $0x2  }
0xba: {  	s3 =	sand.u32 $0x4000, s31;
	s1 =	sadd.s32 s1, s30  }
0xbb: {  	s0 =	sor.u32 s3, s0;
	s1 =	sshll.u32 s1, $0x11  }
0xbc: {  	s0 =	sor.u32 s1, s0  }
0xbd: {  	s0 =	sadd.s32 $0x8F2B, s0  }
0xbe: {  	[sflag:s0] =	ssyncadd.remote.s32 $0x1  }
0xbf: {  	_ =	sfence.sel $0xFFFF  }
0xc0: {  	[dreg:$0x0] =	wrdreg $0xFFFFFFFF;
	(pc) =	sbr.abs _section_cstart, $3  }
0xc1: {  	[dreg:$0x1] =	wrdreg $0xFFFFFFFF  }
0xc2: {  	_ =	task.clear_ibuf [dreg:s7], $0x2FFFF;
	_ =	strace $0x9FFFFFFF  }
0xc3: {  	(tm) =	ssettm $0x7FFFFFFF  }
tec
execute0_lowered:
.L_overlay_start_1:
0x0: {  	(tag) =	ssettag $0x1  }
0x1: {  	s5 =	rddreg [dreg:$0x0]  }
0x2: {  	s1 =	rddreg [dreg:$0x1]  }
0x3: {  	s2 =	rddreg [dreg:$0x2]  }
0x4: {  	s3 =	srdreg.scid;
	s0 =	rddreg [dreg:$0x3]  }
0x5: {  	s12 =	stileid.u32;
	s10 =	simm.s32 $0x8000;
	s11 =	simm.s32 $0x50  }
0x6: {  	s14 =	simm.s32 $0x0;
	s4 =	sand.u32 $0x1, s3;
	s3 =	simm.s32 $0x0  }
0x7: {  	s9 =	smul.u32 $0x4E200, s12;
	p0 =	sne.s32 s12, $0x0;
	s6 =	sshll.u32 s4, $0x4  }
0x8: {  	[smem:$0x7FF] =	sst s3;
	s8 =	ssub.s32 $0x2, s4;
	s4 =	sadd.s32 $0x21200, s5  }
0x9: {  	s6 =	sor.u32 s12, s6;
	_ =	strace $0x80000047;
	s30 =	sshrl.u32 s8, $0x1  }
0xa: {  	s31 =	sshrl.u32 s9, $0x2;
	s9 =	simm.s32 $0x1;
	s12 =	sshll.u32 s12, $0x6  }
0xb: {  	s7 =	sshll.u32 s6, $0xC;
	s6 =	smul.u32 $0x2780, s6;
	s8 =	ssub.s32 s8, s30  }
0xc: {  	s13 =	sadd.s32 s31, s2;
	s12 =	sor.u32 $0x1C01, s12;
	s7 =	sadd.s32 s7, s5  }
0xd: {  	s13 =	sshrl.u32 s13, $0x3;
	s6 =	sadd.s32 s6, s5;
	s5 =	sadd.s32 $0x1200, s7  }
0xe: {  	s7 =	smax.u32 s8, $0x1;
	s8 =	sshrl.u32 @!p0 s2, $0x3;
	s6 =	sadd.s32 $0x21800, s6  }
.LBB2_1:
0xf: {  	s15 =	simm.s32 @!p0 $0x1C01  }
0x10: {  	[spmem:s8], [sflag:s15] =	dma.local @!p0 [hbm:s1], $0x27100  }
0x11: {  	s15 =	simm.s32 @!p0 $0x1  }
0x12: {  	_ =	swait.ge @!p0 [sflag:s15], $0x27100  }
0x13: {  	[sflag:s15] =	ssyncset.done @!p0 $0x0  }
0x14: {  	[sflag:s15] =	ssyncadd.s32 @!p0 $0xFFFD8F00  }
0x15: {  	[tilespmem:s3], [sflag:$0x1] =	stream.linear.gather [hbm4b:s5+s3], $0x7D00, $0x38;
	[tilespmem:$0x1E080] =	vst v63  }
0x16: {  	_ =	swait.ge [sflag:s9], $0x7D00  }
0x17: {  	[sflag:s9] =	ssyncset.done $0x0  }
0x18: {  	[sflag:s9] =	ssyncadd.s32 $0xFFFF8300  }
0x19: {  	[tilespmem:s10], [sflag:$0x1] =	stream.linear.gather [hbm4b:s4+s3], $0x2800, $0x38;
	[tilespmem:$0x1E080] =	vst v63  }
0x1a: {  	_ =	swait.ge [sflag:s9], $0x2800  }
0x1b: {  	[sflag:s9] =	ssyncset.done $0x0  }
0x1c: {  	[sflag:s9] =	ssyncadd.s32 $0xFFFFD800  }
0x1d: {  	s31 =	simm.s32 $0x0;
	[bflag:$0x0] =	sbarrier.arrive $0xFFFF  }
0x1e: {  	[spmem:s2] =	stream.indirect.scatter.add.f32 [tilespmem:s10], [sflag:$0x1], $0x80, s31, s11, $0xb8;
	[tilespmem:$0x1E080] =	vst v63  }
0x1f: {  	_ =	swait.ge [sflag:s9], $0x2800  }
0x20: {  	s15 =	simm.s32 $0x200;
	[sflag:s9] =	ssyncset.done $0x0  }
.LBB2_2:
0x21: {  	s16 =	sshra.s32 s15, $0x2;
	[sflag:s9] =	ssyncadd.s32 $0xFFFFD800;
	p1 =	sne.s32 s15, $0x1F200  }
0x22: {  	[spmem:s2] =	stream.indirect.scatter.add.f32 [tilespmem:s10], [sflag:$0x1], $0x80, s16, s11, $0xb8;
	[tilespmem:$0x1E080] =	vst v63  }
.Ltmp0:
0x23: {  	_ = 	snop;
	(pc) =	sbr.rel @p1 .LBB2_2-.Ltmp0, $4  }
0x24: {  	_ = 	snop  }
0x25: {  	s15 =	sadd.s32 $0x200, s15  }
0x26: {  	_ =	swait.ge [sflag:s9], $0x2800  }
0x27: {  	[sflag:s9] =	ssyncset.done $0x0  }
0x28: {  	s14 =	sadd.s32 $0x1, s14  }
0x29: {  	[sflag:s9] =	ssyncadd.s32 $0xFFFFD800;
	p1 =	sne.s32 s14, s7  }
.Ltmp1:
0x2a: {  	[bflag:$0x0] =	sbarrier.arrive $0xFFFF;
	(pc) =	sbr.rel @p1 .LBB2_1-.Ltmp1, $4  }
0x2b: {  	[hbm:s6], [sflag:s12] =	dma.local [spmem:s13], $0x2710  }
0x2c: {  	_ =	swait.ge [sflag:s9], $0x2710  }
0x2d: {  	[sflag:s9] =	ssyncset.done $0x0  }
0x2e: {  	[sflag:s9] =	ssyncadd.s32 $0xFFFFD8F0  }
0x2f: {  	_ =	sfence.sel $0x180000  }
0x30: {  	[bflag:$0x0] =	sbarrier.arrive $0xFFFF  }
0x31: {  	_ =	strace $0x90000047  }
0x32: {  	s0 =	sadd.s32 @!p0 $0x100000, s0;
	[bflag:$0x2] =	sbarrier.arrive $0xFFFF  }
0x33: {  	[sflag:s0] =	ssyncadd.tile.s32 @!p0 $0x1;
	_ =	shalt  }
.Lfunc_end2:
_tile_overlayer_lowered:
.L_overlay_start_2:
0x34: {  	(tag) =	ssettag $0x2  }
0x35: {  	s0 =	rddreg [dreg:$0x0];
	s2 =	stileid.u32  }
0x36: {  	s1 =	rddreg [dreg:$0x1];
	p0 =	sne.s32 s2, $0x0  }
0x37: {  	s3 =	rddreg [dreg:$0x2];
	[bflag:$0x3] =	sbarrier.arrive $0xFFFF;
	s2 =	simm.s32 @!p0 $0x1C01  }
0x38: {  	[timem:s3], [sflag:s2] =	dma.local @!p0 [hbm:s0], s1  }
0x39: {  	s0 =	simm.s32 @!p0 $0x1  }
0x3a: {  	_ =	swait.ge @!p0 [sflag:s0], s1  }
0x3b: {  	s1 =	ssub.s32 @!p0 $0x0, s1;
	[sflag:s0] =	ssyncset.done @!p0 $0x0  }
0x3c: {  	[sflag:s0] =	ssyncadd.s32 @!p0 s1  }
0x3d: {  	[bflag:$0x3] =	sbarrier.arrive $0xFFFF  }
0x3e: {  	_ =	shalt  }

// kernel: kernel.9.cloned.1.call-start
scs
__scs_entry_jumppad:
0x0: {  	(pc) =	sbr.rel $0x88, $3  }
0x1: {  	(tag) =	ssettag $0x0;
	lr =	simm.s32 $0x1  }
0x2: {  	[smem:$0x3F9D] =	sst lr;
	_ =	strace $0xD0000000  }
0x3: {  	_ = 	snop  }
0x4: {  	_ = 	snop  }
0x5: {  	_ = 	snop  }
0x6: {  	_ = 	snop  }
0x7: {  	_ = 	snop  }
__scs_overlays_trampoline_lowered:
0x8: {  	[smem:$0x3FAC] =	sst s0  }
0x9: {  	[smem:$0x3FAD] =	sst s1  }
0xa: {  	[smem:$0x3FAE] =	sst s2  }
0xb: {  	[smem:$0x3FAF] =	sst s3  }
0xc: {  	[smem:$0x3FB0] =	sst s4  }
0xd: {  	[smem:$0x3FB1] =	sst s5  }
0xe: {  	[smem:$0x3FB2] =	sst s6  }
0xf: {  	[smem:$0x3FB3] =	sst s7  }
0x10: {  	[smem:$0x3FB4] =	sst s8  }
0x11: {  	[smem:$0x3FB5] =	sst s9;
	s0 =	simm.s32 @!p0 $0x0  }
0x12: {  	s1 =	sld [smem:$0x3F9B];
	s0 =	simm.s32 @p0 $0x1  }
0x13: {  	[smem:$0x3FB6] =	sst s0;
	s0 =	simm.s32 @!p1 $0x0  }
0x14: {  	s2 =	sld [smem:$0x3F9A];
	s0 =	simm.s32 @p1 $0x1  }
0x15: {  	[smem:$0x3FB7] =	sst s0;
	s0 =	simm.s32 @!p2 $0x0  }
0x16: {  	s3 =	sld [smem:$0x3FDB];
	s0 =	simm.s32 @p2 $0x1  }
0x17: {  	s4 =	simm.s32 $0x1BF5;
	[smem:$0x3FB9] =	sst s0  }
0x18: {  	s0 =	sld [smem:$0x3F9C];
	_ =	swait.ge [sflag:s4], $0x0  }
0x19: {  	s7 =	sld [smem:$0x3F9D]  }
0x1a: {  	s8 =	sadd.s32 $0xFFFFE003, lr  }
0x1b: {  	s9 =	sadd.s32 $0xFFFFFEF7, lr;
	s5 =	simm.s32 $0xFFFFFFFF;
	p2 =	slt.u32 s8, $0xFFFFF086  }
0x1c: {  	p1 =	slt.u32 s9, $0xF7A;
	s5 =	simm.s32 @!p2 $0x0  }
0x1d: {  	s5 =	simm.s32 @p1 $0x1;
	p0 =	seq.s32 s7, s2  }
0x1e: {  	s7 =	smul.u32 @!p0 $0xF7A, s2;
	p2 =	seq.s32 @!p0 s5, $0x0  }
0x1f: {  	s9 =	smul.u32 $0xF7A, s1;
	s8 =	simm.s32 @!p0 $0x1BF5;
	p2 =	por !p2, p0  }
0x20: {  	[sflag:s8] =	ssyncset.s32 @!p0 $0xFFFFF086;
	s6 =	sadd.s32 @!p0 s3, s7;
	s7 =	simm.s32 @!p0 $0x108  }
0x21: {  	s3 =	sadd.s32 s3, s9;
	s6 =	sadd.s32 @!p0 $0x88, s6;
	s7 =	simm.s32 @p2 $0x1082  }
0x22: {  	[simem:s7], [sflag:s8] =	dma.local @!p0 [hbm:s6], $0xF7A  }
0x23: {  	s9 =	sor.u32 $0xD0000000, s2;
	s6 =	simm.s32 $0x108;
	_ =	swait.ge @!p0 [sflag:s8], $0x0  }
0x24: {  	s3 =	sadd.s32 $0x88, s3;
	s6 =	simm.s32 @!p1 $0x1082;
	[sflag:s4] =	ssyncset.s32 $0xFFFFF086  }
0x25: {  	[simem:s6], [sflag:s4] =	dma.local [hbm:s3], $0xF7A  }
0x26: {  	[smem:$0x3F9D] =	sst s1;
	(tag) =	ssettag s2;
	_ =	strace s9  }
0x27: {  	s1 =	sld [smem:$0x3FAD]  }
0x28: {  	s2 =	sld [smem:$0x3FAE]  }
0x29: {  	s4 =	sld [smem:$0x3FB0]  }
0x2a: {  	p0 =	seq.s32 s5, $0x0;
	s5 =	sld [smem:$0x3FB1]  }
0x2b: {  	s6 =	sld [smem:$0x3FB2]  }
0x2c: {  	s7 =	sld [smem:$0x3FB3]  }
0x2d: {  	s3 =	simm.s32 $0x108;
	s8 =	sld [smem:$0x3FB4]  }
0x2e: {  	s3 =	simm.s32 @!p0 $0x1082;
	s9 =	sld [smem:$0x3FB5]  }
0x2f: {  	lr =	sadd.s32 s0, s3;
	s0 =	sld [smem:$0x3FAC]  }
0x30: {  	s3 =	sld [smem:$0x3FAF]  }
0x31: {  	[smem:$0x3FB8] =	sst s10  }
0x32: {  	s10 =	sld [smem:$0x3FB6];
	_ =	sdelay $0x3  }
0x33: {  	p0 =	seq.s32 s10, $0x1;
	s10 =	sld [smem:$0x3FB8];
	_ =	sdelay $0x3  }
0x34: {  	[smem:$0x3FB8] =	sst s10  }
0x35: {  	s10 =	sld [smem:$0x3FB7];
	_ =	sdelay $0x3  }
0x36: {  	p1 =	seq.s32 s10, $0x1;
	s10 =	sld [smem:$0x3FB8];
	_ =	sdelay $0x3  }
0x37: {  	[smem:$0x3FB8] =	sst s10  }
0x38: {  	s10 =	sld [smem:$0x3FB9]  }
0x39: {  	_ = 	snop;
	(pc) =	sbr.ind lr, $3  }
0x3a: {  	_ = 	snop  }
0x3b: {  	_ = 	snop  }
0x3c: {  	p2 =	seq.s32 s10, $0x1;
	s10 =	sld [smem:$0x3FB8]  }
0x3d: {  	_ =	shalt  }
0x3e: {  	_ =	shalt  }
0x3f: {  	_ =	shalt  }
0x40: {  	_ =	shalt  }
0x41: {  	_ =	shalt  }
0x42: {  	_ =	shalt  }
0x43: {  	_ =	shalt  }
0x44: {  	_ =	shalt  }
0x45: {  	_ =	shalt  }
0x46: {  	_ =	shalt  }
0x47: {  	_ =	shalt  }
0x48: {  	_ =	shalt  }
0x49: {  	_ =	shalt  }
0x4a: {  	_ =	shalt  }
0x4b: {  	_ =	shalt  }
0x4c: {  	_ =	shalt  }
0x4d: {  	_ =	shalt  }
0x4e: {  	_ =	shalt  }
0x4f: {  	_ =	shalt  }
0x50: {  	_ =	shalt  }
0x51: {  	_ =	shalt  }
0x52: {  	_ =	shalt  }
0x53: {  	_ =	shalt  }
0x54: {  	_ =	shalt  }
0x55: {  	_ =	shalt  }
0x56: {  	_ =	shalt  }
0x57: {  	_ =	shalt  }
0x58: {  	_ =	shalt  }
0x59: {  	_ =	shalt  }
0x5a: {  	_ =	shalt  }
0x5b: {  	_ =	shalt  }
0x5c: {  	_ =	shalt  }
0x5d: {  	_ =	shalt  }
0x5e: {  	_ =	shalt  }
0x5f: {  	_ =	shalt  }
0x60: {  	_ =	shalt  }
0x61: {  	_ =	shalt  }
0x62: {  	_ =	shalt  }
0x63: {  	_ =	shalt  }
0x64: {  	_ =	shalt  }
0x65: {  	_ =	shalt  }
0x66: {  	_ =	shalt  }
0x67: {  	_ =	shalt  }
0x68: {  	_ =	shalt  }
0x69: {  	_ =	shalt  }
0x6a: {  	_ =	shalt  }
0x6b: {  	_ =	shalt  }
0x6c: {  	_ =	shalt  }
0x6d: {  	_ =	shalt  }
0x6e: {  	_ =	shalt  }
0x6f: {  	_ =	shalt  }
0x70: {  	_ =	shalt  }
0x71: {  	_ =	shalt  }
0x72: {  	_ =	shalt  }
0x73: {  	_ =	shalt  }
0x74: {  	_ =	shalt  }
0x75: {  	_ =	shalt  }
0x76: {  	_ =	shalt  }
0x77: {  	_ =	shalt  }
0x78: {  	_ =	shalt  }
0x79: {  	_ =	shalt  }
0x7a: {  	_ =	shalt  }
0x7b: {  	_ =	shalt  }
0x7c: {  	_ =	shalt  }
0x7d: {  	_ =	shalt  }
0x7e: {  	_ =	shalt  }
0x7f: {  	_ =	shalt  }
0x80: {  	_ =	shalt  }
0x81: {  	_ =	shalt  }
0x82: {  	_ =	shalt  }
0x83: {  	_ =	shalt  }
0x84: {  	_ =	shalt  }
0x85: {  	_ =	shalt  }
0x86: {  	_ =	shalt  }
0x87: {  	_ =	shalt  }
.Lfunc_end0:
.L_simem_size_0:
called_computation.1_lowered:
.L_overlay_start_0:
0x88: {  	s2 =	sld [smem:$0x3FD9]  }
0x89: {  	s3 =	sld [smem:$0x3FFE];
	_ =	sdelay $0x1  }
0x8a: {  	s1 =	srdreg.scid  }
0x8b: {  	s0 =	sand.u32 $0x1, s1  }
0x8c: {  	s17 =	sshll.u32 s0, $0xA;
	s2 =	sadd.s32 s3, s2  }
0x8d: {  	s2 =	sadd.s32 s2, s17  }
0x8e: {  	[smem:$0x3FC4] =	sst s2  }
0x8f: {  	_ = 	snop  }
0x90: {  	s2 =	sld [smem:$0x3FD0];
	(tm) =	ssettm $0x1  }
0x91: {  	s18 =	sld [smem:$0x3FFB];
	_ =	sdelay $0x3  }
0x92: {  	_ =	strace s18  }
0x93: {  	s3 =	sld [smem:$0x3FFC];
	_ =	sdelay $0x3  }
0x94: {  	_ =	strace s3  }
0x95: {  	s3 =	sld [smem:$0x3FFD];
	_ =	sdelay $0x3  }
0x96: {  	_ =	strace s3  }
0x97: {  	_ =	strace $0x8FFFFFFF  }
0x98: {  	s19 =	sld [smem:$0x3FDB];
	_ =	sdelay $0x1  }
0x99: {  	s4 =	simm.s32 $_scs_section_size  }
0x9a: {  	s5 =	simm.s32 $_size__tile_overlayer_lowered;
	s6 =	simm.s32 $_tile_overlayer_lowered  }
0x9b: {  	s22 =	simm.s32 $0x1BFF;
	s21 =	sshll.u32 s6, $0x1;
	s3 =	sadd.s32 s4, s19  }
0x9c: {  	s7 =	simm.s32 $0x0;
	s20 =	sshll.u32 s5, $0x1;
	s5 =	sadd.s32 s21, s3  }
0x9d: {  	[timem:s7], [sflag:s22] =	dma.local [hbm:s5], s20  }
0x9e: {  	_ =	swait.ge [sflag:s22], s20  }
0x9f: {  	s4 =	ssub.s32 $0x0, s20;
	[sflag:s22] =	ssyncset.done $0x0  }
0xa0: {  	[sflag:s22] =	ssyncadd.s32 s4;
	_ =	sdelay $0x1  }
0xa1: {  	s23 =	simm.s32 $0x1B8B  }
0xa2: {  	_ =	swait.ge [sflag:s23], $0x1  }
0xa3: {  	[sflag:s23] =	ssyncset.done $0x0  }
0xa4: {  	s25 =	simm.s32 $0x1B8E;
	s24 =	sld [smem:$0x3FFE];
	[sflag:s23] =	ssyncadd.s32 $0xFFFFFFFF  }
0xa5: {  	s26 =	simm.s32 $execute0_lowered;
	[smem:$0x3FD2] =	sst s25  }
0xa6: {  	s5 =	sshll.u32 s26, $0x1;
	_ =	strace $0x80000049;
	[dreg:$0x1] =	wrdreg $0xFFFFFFFF  }
0xa7: {  	s28 =	simm.s32 $_size_execute0_lowered;
	s3 =	sadd.s32 s3, s5;
	[dreg:$0x0] =	wrdreg $0x0  }
0xa8: {  	s5 =	sshll.u32 s28, $0x1;
	[dreg:$0x2] =	wrdreg s3  }
0xa9: {  	[dreg:$0x3] =	wrdreg s5  }
0xaa: {  	[dreg:$0x4] =	wrdreg $0xC0  }
0xab: {  	_ =	task [dreg:s7], $0x5FFFF  }
0xac: {  	[dreg:$0x1] =	wrdreg $0xFFFFFFFF  }
0xad: {  	[dreg:$0x0] =	wrdreg $0x60  }
0xae: {  	[dreg:$0x2] =	wrdreg s2  }
0xaf: {  	[dreg:$0x3] =	wrdreg s24  }
0xb0: {  	[dreg:$0x4] =	wrdreg $0x90000  }
0xb1: {  	[dreg:$0x5] =	wrdreg $0x9  }
0xb2: {  	_ =	task.clear_ibuf [dreg:s7], $0x6FFFF;
	_ =	strace $0x90000049  }
0xb3: {  	s29 =	simm.s32 $0x9;
	_ =	strace $0x8000004B  }
0xb4: {  	_ =	swait.ge [sflag:s29], $0x1  }
0xb5: {  	[sflag:s29] =	ssyncadd.s32 $0xFFFFFFFF  }
0xb6: {  	_ =	strace $0x9000004B  }
0xb7: {  	_ =	sfence  }
0xb8: {  	s30 =	sld [smem:$0x0];
	_ =	sdelay $0x2  }
0xb9: {  	s31 =	sshll.u32 s1, $0xD;
	s1 =	sshrl.u32 s1, $0x2  }
0xba: {  	s3 =	sand.u32 $0x4000, s31;
	s1 =	sadd.s32 s1, s30  }
0xbb: {  	s0 =	sor.u32 s3, s0;
	s1 =	sshll.u32 s1, $0x11  }
0xbc: {  	s0 =	sor.u32 s1, s0  }
0xbd: {  	s0 =	sadd.s32 $0x8F2B, s0  }
0xbe: {  	[sflag:s0] =	ssyncadd.remote.s32 $0x1  }
0xbf: {  	_ =	sfence.sel $0xFFFF  }
0xc0: {  	[dreg:$0x0] =	wrdreg $0xFFFFFFFF;
	(pc) =	sbr.abs _section_cstart, $3  }
0xc1: {  	[dreg:$0x1] =	wrdreg $0xFFFFFFFF  }
0xc2: {  	_ =	task.clear_ibuf [dreg:s7], $0x2FFFF;
	_ =	strace $0x9FFFFFFF  }
0xc3: {  	(tm) =	ssettm $0x7FFFFFFF  }
tec
execute0_lowered:
.L_overlay_start_1:
0x0: {  	(tag) =	ssettag $0x1  }
0x1: {  	s0 =	rddreg [dreg:$0x0]  }
0x2: {  	s3 =	rddreg [dreg:$0x1]  }
0x3: {  	s2 =	rddreg [dreg:$0x2];
	s4 =	simm.s32 $0x0  }
0x4: {  	s1 =	srdreg.scid;
	[smem:$0x7FF] =	sst s4;
	s7 =	sadd.s32 $0x1200, s3  }
0x5: {  	s13 =	simm.s32 $0x100;
	_ =	strace $0x8000004A;
	[dreg:$0x12] =	wrdreg s7  }
0x6: {  	s8 =	stileid.u32;
	s15 =	simm.s32 $0x880;
	[dreg:$0x6] =	wrdreg s13  }
0x7: {  	s16 =	simm.s32 $0x180;
	s17 =	simm.s32 $0x900;
	[dreg:$0x7] =	wrdreg s15  }
0x8: {  	s18 =	simm.s32 $0x200;
	s19 =	simm.s32 $0x980;
	[dreg:$0x8] =	wrdreg s16  }
0x9: {  	s20 =	simm.s32 $0x280;
	s21 =	simm.s32 $0xA00;
	[dreg:$0x9] =	wrdreg s17  }
0xa: {  	s22 =	simm.s32 $0x300;
	s23 =	simm.s32 $0xA80;
	[dreg:$0xa] =	wrdreg s18  }
0xb: {  	s24 =	simm.s32 $0x380;
	s25 =	simm.s32 $0xB00;
	[dreg:$0xb] =	wrdreg s19  }
0xc: {  	s28 =	simm.s32 $0x680;
	s29 =	simm.s32 $0xE00;
	[dreg:$0xc] =	wrdreg s20  }
0xd: {  	s30 =	simm.s32 $0x700;
	s31 =	simm.s32 $0xE80;
	[dreg:$0xd] =	wrdreg s21  }
0xe: {  	s1 =	sand.u32 $0x1, s1;
	s12 =	smul.u32 $0x4E200, s8;
	[dreg:$0xe] =	wrdreg s22  }
0xf: {  	p0 =	sne.s32 s8, $0x0;
	s5 =	sshll.u32 s1, $0x4;
	[dreg:$0xf] =	wrdreg s23  }
0x10: {  	s1 =	ssub.s32 $0x2, s1;
	s13 =	simm.s32 $0x5000;
	[dreg:$0x10] =	wrdreg s24  }
0x11: {  	s15 =	simm.s32 $0x2;
	[dreg:$0x11] =	wrdreg s25;
	s16 =	simm.s32 $0x400  }
0x12: {  	s17 =	simm.s32 $0xB80;
	s18 =	simm.s32 $0x480;
	s19 =	simm.s32 $0xC00  }
0x13: {  	s20 =	simm.s32 $0x500;
	s21 =	simm.s32 $0xC80;
	s22 =	simm.s32 $0x580  }
0x14: {  	s23 =	simm.s32 $0xD00;
	s24 =	simm.s32 $0x600;
	s5 =	sor.u32 s8, s5  }
0x15: {  	s7 =	simm.s32 $0x0;
	s9 =	sshrl.u32 s1, $0x1;
	s6 =	smul.u32 $0x500, s5  }
0x16: {  	s14 =	sshrl.u32 s12, $0x2;
	s5 =	smul.u32 $0x2780, s5;
	s1 =	ssub.s32 s1, s9  }
0x17: {  	s12 =	simm.s32 $0x1000;
	s9 =	simm.s32 $0x3;
	s1 =	smax.u32 s1, $0x1  }
0x18: {  	s6 =	sadd.s32 s6, s3;
	s3 =	sadd.s32 s5, s3;
	s5 =	sadd.s32 s14, s2  }
0x19: {  	[dreg:$0x14] =	wrdreg s1;
	s14 =	simm.s32 $0x1;
	s10 =	sadd.s32 $0x70800, s6  }
0x1a: {  	s1 =	simm.s32 $0x780;
	s11 =	sadd.s32 $0x7A800, s6;
	[dreg:$0x4] =	wrdreg s10  }
0x1b: {  	s3 =	sadd.s32 $0x84800, s3;
	s26 =	sshrl.u32 s5, $0x3;
	[dreg:$0x5] =	wrdreg s11  }
0x1c: {  	s5 =	simm.s32 $0xF80;
	[dreg:$0x13] =	wrdreg s3;
	s3 =	sshrl.u32 @!p0 s2, $0x3  }
0x1d: {  	s10 =	simm.s32 $0x800;
	s11 =	simm.s32 $0x80;
	[dreg:$0x16] =	wrdreg s26  }
0x1e: {  	s26 =	simm.s32 $0xD80;
	[dreg:$0x15] =	wrdreg s3;
	s3 =	simm.s32 $0xF00  }
.LBB2_1:
0x1f: {  	[dreg:$0x17] =	wrdreg s7  }
0x20: {  	s6 =	rddreg [dreg:$0x12]  }
0x21: {  	s7 =	simm.s32 @!p0 $0x1C03;
	s8 =	rddreg [dreg:$0x15]  }
0x22: {  	[spmem:s8], [sflag:s7] =	dma.local @!p0 [hbm:s6], $0x2B100  }
0x23: {  	s7 =	simm.s32 @!p0 $0x3  }
0x24: {  	_ =	swait.ge @!p0 [sflag:s7], $0x2B100  }
0x25: {  	[sflag:s7] =	ssyncset.done @!p0 $0x0  }
0x26: {  	[sflag:s7] =	ssyncadd.s32 @!p0 $0xFFFD4F00  }
0x27: {  	[bflag:$0x0] =	sbarrier.arrive $0xFFFF  }
0x28: {  	s8 =	rddreg [dreg:$0x4]  }
0x29: {  	s7 =	sadd.s32 $0x0, s8  }
0x2a: {  	[tilespmem:s4], [sflag:$0x3] =	stream.linear.gather [hbm4b:s7+s4], $0x800, $0x38;
	[tilespmem:$0x1E880] =	vst v63  }
0x2b: {  	_ =	swait.ge [sflag:s9], $0x800  }
0x2c: {  	s25 =	rddreg [dreg:$0x5];
	[sflag:s9] =	ssyncset.done $0x0  }
0x2d: {  	[sflag:s9] =	ssyncadd.s32 $0xFFFFF800;
	s7 =	sadd.s32 $0x0, s25  }
0x2e: {  	[tilespmem:s10], [sflag:$0x3] =	stream.linear.gather [hbm4b:s7+s4], $0x800, $0x38;
	[tilespmem:$0x1E880] =	vst v63  }
0x2f: {  	_ =	swait.ge [sflag:s9], $0x800  }
0x30: {  	[sflag:s9] =	ssyncset.done $0x0  }
0x31: {  	[sflag:s9] =	ssyncadd.s32 $0xFFFFF800  }
0x32: {  	[tilespmem:s12], [sflag:$0x1] =	stream.indirect.gather [hbm4b:s0+s11], $0x80, s4, s11, $0xb8;
	[tilespmem:$0x1E880] =	vst v63  }
0x33: {  	_ = 	snop  }
0x34: {  	[tilespmem:s13], [sflag:$0x2] =	stream.indirect.gather [hbm4b:s0+s11], $0x80, s11, s11, $0xb8;
	[tilespmem:$0x1E880] =	vst v63  }
0x35: {  	_ =	swait.ge [sflag:s14], $0x4000  }
0x36: {  	[sflag:s14] =	ssyncset.done $0x0  }
0x37: {  	[sflag:s14] =	ssyncadd.s32 $0xFFFFC000  }
0x38: {  	[spmem:s2] =	stream.indirect.scatter.add.f32 [tilespmem:s12], [sflag:$0x3], $0x80, s10, s11, $0xb8;
	[tilespmem:$0x1E880] =	vst v63  }
0x39: {  	_ =	swait.ge [sflag:s9], $0x4000  }
0x3a: {  	[sflag:s9] =	ssyncset.done $0x0  }
0x3b: {  	s6 =	rddreg [dreg:$0x6];
	[sflag:s9] =	ssyncadd.s32 $0xFFFFC000  }
0x3c: {  	[tilespmem:s12], [sflag:$0x1] =	stream.indirect.gather [hbm4b:s0+s11], $0x80, s6, s11, $0xb8;
	[tilespmem:$0x1E880] =	vst v63  }
0x3d: {  	_ =	swait.ge [sflag:s15], $0x4000  }
0x3e: {  	[sflag:s15] =	ssyncset.done $0x0  }
0x3f: {  	s8 =	rddreg [dreg:$0x7];
	[sflag:s15] =	ssyncadd.s32 $0xFFFFC000  }
0x40: {  	[spmem:s2] =	stream.indirect.scatter.add.f32 [tilespmem:s13], [sflag:$0x3], $0x80, s8, s11, $0xb8;
	[tilespmem:$0x1E880] =	vst v63  }
0x41: {  	_ =	swait.ge [sflag:s9], $0x4000  }
0x42: {  	[sflag:s9] =	ssyncset.done $0x0  }
0x43: {  	s25 =	rddreg [dreg:$0x8];
	[sflag:s9] =	ssyncadd.s32 $0xFFFFC000  }
0x44: {  	[tilespmem:s13], [sflag:$0x2] =	stream.indirect.gather [hbm4b:s0+s11], $0x80, s25, s11, $0xb8;
	[tilespmem:$0x1E880] =	vst v63  }
0x45: {  	_ =	swait.ge [sflag:s14], $0x4000  }
0x46: {  	[sflag:s14] =	ssyncset.done $0x0  }
0x47: {  	s6 =	rddreg [dreg:$0x9];
	[sflag:s14] =	ssyncadd.s32 $0xFFFFC000  }
0x48: {  	[spmem:s2] =	stream.indirect.scatter.add.f32 [tilespmem:s12], [sflag:$0x3], $0x80, s6, s11, $0xb8;
	[tilespmem:$0x1E880] =	vst v63  }
0x49: {  	_ =	swait.ge [sflag:s9], $0x4000  }
0x4a: {  	[sflag:s9] =	ssyncset.done $0x0  }
0x4b: {  	s8 =	rddreg [dreg:$0xa];
	[sflag:s9] =	ssyncadd.s32 $0xFFFFC000  }
0x4c: {  	[tilespmem:s12], [sflag:$0x1] =	stream.indirect.gather [hbm4b:s0+s11], $0x80, s8, s11, $0xb8;
	[tilespmem:$0x1E880] =	vst v63  }
0x4d: {  	_ =	swait.ge [sflag:s15], $0x4000  }
0x4e: {  	[sflag:s15] =	ssyncset.done $0x0  }
0x4f: {  	s25 =	rddreg [dreg:$0xb];
	[sflag:s15] =	ssyncadd.s32 $0xFFFFC000  }
0x50: {  	[spmem:s2] =	stream.indirect.scatter.add.f32 [tilespmem:s13], [sflag:$0x3], $0x80, s25, s11, $0xb8;
	[tilespmem:$0x1E880] =	vst v63  }
0x51: {  	_ =	swait.ge [sflag:s9], $0x4000  }
0x52: {  	[sflag:s9] =	ssyncset.done $0x0  }
0x53: {  	s6 =	rddreg [dreg:$0xc];
	[sflag:s9] =	ssyncadd.s32 $0xFFFFC000  }
0x54: {  	[tilespmem:s13], [sflag:$0x2] =	stream.indirect.gather [hbm4b:s0+s11], $0x80, s6, s11, $0xb8;
	[tilespmem:$0x1E880] =	vst v63  }
0x55: {  	_ =	swait.ge [sflag:s14], $0x4000  }
0x56: {  	[sflag:s14] =	ssyncset.done $0x0  }
0x57: {  	s8 =	rddreg [dreg:$0xd];
	[sflag:s14] =	ssyncadd.s32 $0xFFFFC000  }
0x58: {  	[spmem:s2] =	stream.indirect.scatter.add.f32 [tilespmem:s12], [sflag:$0x3], $0x80, s8, s11, $0xb8;
	[tilespmem:$0x1E880] =	vst v63  }
0x59: {  	_ =	swait.ge [sflag:s9], $0x4000  }
0x5a: {  	[sflag:s9] =	ssyncset.done $0x0  }
0x5b: {  	s25 =	rddreg [dreg:$0xe];
	[sflag:s9] =	ssyncadd.s32 $0xFFFFC000  }
0x5c: {  	[tilespmem:s12], [sflag:$0x1] =	stream.indirect.gather [hbm4b:s0+s11], $0x80, s25, s11, $0xb8;
	[tilespmem:$0x1E880] =	vst v63  }
0x5d: {  	_ =	swait.ge [sflag:s15], $0x4000  }
0x5e: {  	[sflag:s15] =	ssyncset.done $0x0  }
0x5f: {  	s6 =	rddreg [dreg:$0xf];
	[sflag:s15] =	ssyncadd.s32 $0xFFFFC000  }
0x60: {  	[spmem:s2] =	stream.indirect.scatter.add.f32 [tilespmem:s13], [sflag:$0x3], $0x80, s6, s11, $0xb8;
	[tilespmem:$0x1E880] =	vst v63  }
0x61: {  	_ =	swait.ge [sflag:s9], $0x4000  }
0x62: {  	[sflag:s9] =	ssyncset.done $0x0  }
0x63: {  	s8 =	rddreg [dreg:$0x10];
	[sflag:s9] =	ssyncadd.s32 $0xFFFFC000  }
0x64: {  	[tilespmem:s13], [sflag:$0x2] =	stream.indirect.gather [hbm4b:s0+s11], $0x80, s8, s11, $0xb8;
	[tilespmem:$0x1E880] =	vst v63  }
0x65: {  	_ =	swait.ge [sflag:s14], $0x4000  }
0x66: {  	[sflag:s14] =	ssyncset.done $0x0  }
0x67: {  	s25 =	rddreg [dreg:$0x11];
	[sflag:s14] =	ssyncadd.s32 $0xFFFFC000  }
0x68: {  	[spmem:s2] =	stream.indirect.scatter.add.f32 [tilespmem:s12], [sflag:$0x3], $0x80, s25, s11, $0xb8;
	[tilespmem:$0x1E880] =	vst v63  }
0x69: {  	_ =	swait.ge [sflag:s9], $0x4000  }
0x6a: {  	[sflag:s9] =	ssyncset.done $0x0  }
0x6b: {  	[sflag:s9] =	ssyncadd.s32 $0xFFFFC000  }
0x6c: {  	[tilespmem:s12], [sflag:$0x1] =	stream.indirect.gather [hbm4b:s0+s11], $0x80, s16, s11, $0xb8;
	[tilespmem:$0x1E880] =	vst v63  }
0x6d: {  	_ =	swait.ge [sflag:s15], $0x4000  }
0x6e: {  	[sflag:s15] =	ssyncset.done $0x0  }
0x6f: {  	[sflag:s15] =	ssyncadd.s32 $0xFFFFC000  }
0x70: {  	[spmem:s2] =	stream.indirect.scatter.add.f32 [tilespmem:s13], [sflag:$0x3], $0x80, s17, s11, $0xb8;
	[tilespmem:$0x1E880] =	vst v63  }
0x71: {  	_ =	swait.ge [sflag:s9], $0x4000  }
0x72: {  	[sflag:s9] =	ssyncset.done $0x0  }
0x73: {  	[sflag:s9] =	ssyncadd.s32 $0xFFFFC000  }
0x74: {  	[tilespmem:s13], [sflag:$0x2] =	stream.indirect.gather [hbm4b:s0+s11], $0x80, s18, s11, $0xb8;
	[tilespmem:$0x1E880] =	vst v63  }
0x75: {  	_ =	swait.ge [sflag:s14], $0x4000  }
0x76: {  	[sflag:s14] =	ssyncset.done $0x0  }
0x77: {  	[sflag:s14] =	ssyncadd.s32 $0xFFFFC000  }
0x78: {  	[spmem:s2] =	stream.indirect.scatter.add.f32 [tilespmem:s12], [sflag:$0x3], $0x80, s19, s11, $0xb8;
	[tilespmem:$0x1E880] =	vst v63  }
0x79: {  	_ =	swait.ge [sflag:s9], $0x4000  }
0x7a: {  	[sflag:s9] =	ssyncset.done $0x0  }
0x7b: {  	[sflag:s9] =	ssyncadd.s32 $0xFFFFC000  }
0x7c: {  	[tilespmem:s12], [sflag:$0x1] =	stream.indirect.gather [hbm4b:s0+s11], $0x80, s20, s11, $0xb8;
	[tilespmem:$0x1E880] =	vst v63  }
0x7d: {  	_ =	swait.ge [sflag:s15], $0x4000  }
0x7e: {  	[sflag:s15] =	ssyncset.done $0x0  }
0x7f: {  	[sflag:s15] =	ssyncadd.s32 $0xFFFFC000  }
0x80: {  	[spmem:s2] =	stream.indirect.scatter.add.f32 [tilespmem:s13], [sflag:$0x3], $0x80, s21, s11, $0xb8;
	[tilespmem:$0x1E880] =	vst v63  }
0x81: {  	_ =	swait.ge [sflag:s9], $0x4000  }
0x82: {  	[sflag:s9] =	ssyncset.done $0x0  }
0x83: {  	[sflag:s9] =	ssyncadd.s32 $0xFFFFC000  }
0x84: {  	[tilespmem:s13], [sflag:$0x2] =	stream.indirect.gather [hbm4b:s0+s11], $0x80, s22, s11, $0xb8;
	[tilespmem:$0x1E880] =	vst v63  }
0x85: {  	_ =	swait.ge [sflag:s14], $0x4000  }
0x86: {  	[sflag:s14] =	ssyncset.done $0x0  }
0x87: {  	[sflag:s14] =	ssyncadd.s32 $0xFFFFC000  }
0x88: {  	[spmem:s2] =	stream.indirect.scatter.add.f32 [tilespmem:s12], [sflag:$0x3], $0x80, s23, s11, $0xb8;
	[tilespmem:$0x1E880] =	vst v63  }
0x89: {  	_ =	swait.ge [sflag:s9], $0x4000  }
0x8a: {  	[sflag:s9] =	ssyncset.done $0x0  }
0x8b: {  	[sflag:s9] =	ssyncadd.s32 $0xFFFFC000  }
0x8c: {  	[tilespmem:s12], [sflag:$0x1] =	stream.indirect.gather [hbm4b:s0+s11], $0x80, s24, s11, $0xb8;
	[tilespmem:$0x1E880] =	vst v63  }
0x8d: {  	_ =	swait.ge [sflag:s15], $0x4000  }
0x8e: {  	[sflag:s15] =	ssyncset.done $0x0  }
0x8f: {  	[sflag:s15] =	ssyncadd.s32 $0xFFFFC000  }
0x90: {  	[spmem:s2] =	stream.indirect.scatter.add.f32 [tilespmem:s13], [sflag:$0x3], $0x80, s26, s11, $0xb8;
	[tilespmem:$0x1E880] =	vst v63  }
0x91: {  	_ =	swait.ge [sflag:s9], $0x4000  }
0x92: {  	[sflag:s9] =	ssyncset.done $0x0  }
0x93: {  	[sflag:s9] =	ssyncadd.s32 $0xFFFFC000  }
0x94: {  	[tilespmem:s13], [sflag:$0x2] =	stream.indirect.gather [hbm4b:s0+s11], $0x80, s28, s11, $0xb8;
	[tilespmem:$0x1E880] =	vst v63  }
0x95: {  	_ =	swait.ge [sflag:s14], $0x4000  }
0x96: {  	[sflag:s14] =	ssyncset.done $0x0  }
0x97: {  	[sflag:s14] =	ssyncadd.s32 $0xFFFFC000  }
0x98: {  	[spmem:s2] =	stream.indirect.scatter.add.f32 [tilespmem:s12], [sflag:$0x3], $0x80, s29, s11, $0xb8;
	[tilespmem:$0x1E880] =	vst v63  }
0x99: {  	_ =	swait.ge [sflag:s9], $0x4000  }
0x9a: {  	[sflag:s9] =	ssyncset.done $0x0  }
0x9b: {  	[sflag:s9] =	ssyncadd.s32 $0xFFFFC000  }
0x9c: {  	[tilespmem:s12], [sflag:$0x1] =	stream.indirect.gather [hbm4b:s0+s11], $0x80, s30, s11, $0xb8;
	[tilespmem:$0x1E880] =	vst v63  }
0x9d: {  	_ =	swait.ge [sflag:s15], $0x4000  }
0x9e: {  	[sflag:s15] =	ssyncset.done $0x0  }
0x9f: {  	[sflag:s15] =	ssyncadd.s32 $0xFFFFC000  }
0xa0: {  	[spmem:s2] =	stream.indirect.scatter.add.f32 [tilespmem:s13], [sflag:$0x3], $0x80, s31, s11, $0xb8;
	[tilespmem:$0x1E880] =	vst v63  }
0xa1: {  	_ =	swait.ge [sflag:s9], $0x4000  }
0xa2: {  	[sflag:s9] =	ssyncset.done $0x0  }
0xa3: {  	[sflag:s9] =	ssyncadd.s32 $0xFFFFC000  }
0xa4: {  	[tilespmem:s13], [sflag:$0x2] =	stream.indirect.gather [hbm4b:s0+s11], $0x80, s1, s11, $0xb8;
	[tilespmem:$0x1E880] =	vst v63  }
0xa5: {  	_ =	swait.ge [sflag:s14], $0x4000  }
0xa6: {  	[sflag:s14] =	ssyncset.done $0x0  }
0xa7: {  	[sflag:s14] =	ssyncadd.s32 $0xFFFFC000  }
0xa8: {  	[spmem:s2] =	stream.indirect.scatter.add.f32 [tilespmem:s12], [sflag:$0x3], $0x80, s3, s11, $0xb8;
	[tilespmem:$0x1E880] =	vst v63  }
0xa9: {  	_ =	swait.ge [sflag:s9], $0x4000  }
0xaa: {  	[sflag:s9] =	ssyncset.done $0x0  }
0xab: {  	[sflag:s9] =	ssyncadd.s32 $0xFFFFC000  }
0xac: {  	_ =	swait.ge [sflag:s15], $0x4000  }
0xad: {  	[sflag:s15] =	ssyncset.done $0x0  }
0xae: {  	[sflag:s15] =	ssyncadd.s32 $0xFFFFC000  }
0xaf: {  	[spmem:s2] =	stream.indirect.scatter.add.f32 [tilespmem:s13], [sflag:$0x3], $0x80, s5, s11, $0xb8;
	[tilespmem:$0x1E880] =	vst v63  }
0xb0: {  	s7 =	simm.s32 $0x100;
	_ =	swait.ge [sflag:s9], $0x4000  }
0xb1: {  	s8 =	simm.s32 $0x200;
	s25 =	rddreg [dreg:$0x4];
	[sflag:s9] =	ssyncset.done $0x0  }
.LBB2_2:
0xb2: {  	[sflag:s9] =	ssyncadd.s32 $0xFFFFC000;
	s25 =	sadd.s32 s7, s25  }
0xb3: {  	[tilespmem:s4], [sflag:$0x3] =	stream.linear.gather [hbm4b:s25+s4], $0x800, $0x38;
	[tilespmem:$0x1E880] =	vst v63  }
0xb4: {  	_ =	swait.ge [sflag:s9], $0x800  }
0xb5: {  	s25 =	rddreg [dreg:$0x5];
	[sflag:s9] =	ssyncset.done $0x0  }
0xb6: {  	[sflag:s9] =	ssyncadd.s32 $0xFFFFF800;
	s25 =	sadd.s32 s7, s25  }
0xb7: {  	[tilespmem:s10], [sflag:$0x3] =	stream.linear.gather [hbm4b:s25+s4], $0x800, $0x38;
	[tilespmem:$0x1E880] =	vst v63  }
0xb8: {  	_ =	swait.ge [sflag:s9], $0x800  }
0xb9: {  	[sflag:s9] =	ssyncset.done $0x0  }
0xba: {  	[sflag:s9] =	ssyncadd.s32 $0xFFFFF800  }
0xbb: {  	[tilespmem:s12], [sflag:$0x1] =	stream.indirect.gather [hbm4b:s0+s11], $0x80, s4, s11, $0xb8;
	[tilespmem:$0x1E880] =	vst v63  }
0xbc: {  	_ = 	snop  }
0xbd: {  	[tilespmem:s13], [sflag:$0x2] =	stream.indirect.gather [hbm4b:s0+s11], $0x80, s11, s11, $0xb8;
	[tilespmem:$0x1E880] =	vst v63  }
0xbe: {  	_ =	swait.ge [sflag:s14], $0x4000  }
0xbf: {  	[sflag:s14] =	ssyncset.done $0x0  }
0xc0: {  	[sflag:s14] =	ssyncadd.s32 $0xFFFFC000  }
0xc1: {  	[spmem:s2] =	stream.indirect.scatter.add.f32 [tilespmem:s12], [sflag:$0x3], $0x80, s10, s11, $0xb8;
	[tilespmem:$0x1E880] =	vst v63  }
0xc2: {  	_ =	swait.ge [sflag:s9], $0x4000  }
0xc3: {  	[sflag:s9] =	ssyncset.done $0x0  }
0xc4: {  	s25 =	rddreg [dreg:$0x6];
	[sflag:s9] =	ssyncadd.s32 $0xFFFFC000  }
0xc5: {  	[tilespmem:s12], [sflag:$0x1] =	stream.indirect.gather [hbm4b:s0+s11], $0x80, s25, s11, $0xb8;
	[tilespmem:$0x1E880] =	vst v63  }
0xc6: {  	_ =	swait.ge [sflag:s15], $0x4000  }
0xc7: {  	[sflag:s15] =	ssyncset.done $0x0  }
0xc8: {  	s25 =	rddreg [dreg:$0x7];
	[sflag:s15] =	ssyncadd.s32 $0xFFFFC000  }
0xc9: {  	[spmem:s2] =	stream.indirect.scatter.add.f32 [tilespmem:s13], [sflag:$0x3], $0x80, s25, s11, $0xb8;
	[tilespmem:$0x1E880] =	vst v63  }
0xca: {  	_ =	swait.ge [sflag:s9], $0x4000  }
0xcb: {  	[sflag:s9] =	ssyncset.done $0x0  }
0xcc: {  	s25 =	rddreg [dreg:$0x8];
	[sflag:s9] =	ssyncadd.s32 $0xFFFFC000  }
0xcd: {  	[tilespmem:s13], [sflag:$0x2] =	stream.indirect.gather [hbm4b:s0+s11], $0x80, s25, s11, $0xb8;
	[tilespmem:$0x1E880] =	vst v63  }
0xce: {  	_ =	swait.ge [sflag:s14], $0x4000  }
0xcf: {  	[sflag:s14] =	ssyncset.done $0x0  }
0xd0: {  	s25 =	rddreg [dreg:$0x9];
	[sflag:s14] =	ssyncadd.s32 $0xFFFFC000  }
0xd1: {  	[spmem:s2] =	stream.indirect.scatter.add.f32 [tilespmem:s12], [sflag:$0x3], $0x80, s25, s11, $0xb8;
	[tilespmem:$0x1E880] =	vst v63  }
0xd2: {  	_ =	swait.ge [sflag:s9], $0x4000  }
0xd3: {  	[sflag:s9] =	ssyncset.done $0x0  }
0xd4: {  	s25 =	rddreg [dreg:$0xa];
	[sflag:s9] =	ssyncadd.s32 $0xFFFFC000  }
0xd5: {  	[tilespmem:s12], [sflag:$0x1] =	stream.indirect.gather [hbm4b:s0+s11], $0x80, s25, s11, $0xb8;
	[tilespmem:$0x1E880] =	vst v63  }
0xd6: {  	_ =	swait.ge [sflag:s15], $0x4000  }
0xd7: {  	[sflag:s15] =	ssyncset.done $0x0  }
0xd8: {  	s25 =	rddreg [dreg:$0xb];
	[sflag:s15] =	ssyncadd.s32 $0xFFFFC000  }
0xd9: {  	[spmem:s2] =	stream.indirect.scatter.add.f32 [tilespmem:s13], [sflag:$0x3], $0x80, s25, s11, $0xb8;
	[tilespmem:$0x1E880] =	vst v63  }
0xda: {  	_ =	swait.ge [sflag:s9], $0x4000  }
0xdb: {  	[sflag:s9] =	ssyncset.done $0x0  }
0xdc: {  	s25 =	rddreg [dreg:$0xc];
	[sflag:s9] =	ssyncadd.s32 $0xFFFFC000  }
0xdd: {  	[tilespmem:s13], [sflag:$0x2] =	stream.indirect.gather [hbm4b:s0+s11], $0x80, s25, s11, $0xb8;
	[tilespmem:$0x1E880] =	vst v63  }
0xde: {  	_ =	swait.ge [sflag:s14], $0x4000  }
0xdf: {  	[sflag:s14] =	ssyncset.done $0x0  }
0xe0: {  	s25 =	rddreg [dreg:$0xd];
	[sflag:s14] =	ssyncadd.s32 $0xFFFFC000  }
0xe1: {  	[spmem:s2] =	stream.indirect.scatter.add.f32 [tilespmem:s12], [sflag:$0x3], $0x80, s25, s11, $0xb8;
	[tilespmem:$0x1E880] =	vst v63  }
0xe2: {  	_ =	swait.ge [sflag:s9], $0x4000  }
0xe3: {  	[sflag:s9] =	ssyncset.done $0x0  }
0xe4: {  	s25 =	rddreg [dreg:$0xe];
	[sflag:s9] =	ssyncadd.s32 $0xFFFFC000  }
0xe5: {  	[tilespmem:s12], [sflag:$0x1] =	stream.indirect.gather [hbm4b:s0+s11], $0x80, s25, s11, $0xb8;
	[tilespmem:$0x1E880] =	vst v63  }
0xe6: {  	_ =	swait.ge [sflag:s15], $0x4000  }
0xe7: {  	[sflag:s15] =	ssyncset.done $0x0  }
0xe8: {  	s25 =	rddreg [dreg:$0xf];
	[sflag:s15] =	ssyncadd.s32 $0xFFFFC000  }
0xe9: {  	[spmem:s2] =	stream.indirect.scatter.add.f32 [tilespmem:s13], [sflag:$0x3], $0x80, s25, s11, $0xb8;
	[tilespmem:$0x1E880] =	vst v63  }
0xea: {  	_ =	swait.ge [sflag:s9], $0x4000  }
0xeb: {  	[sflag:s9] =	ssyncset.done $0x0  }
0xec: {  	s25 =	rddreg [dreg:$0x10];
	[sflag:s9] =	ssyncadd.s32 $0xFFFFC000  }
0xed: {  	[tilespmem:s13], [sflag:$0x2] =	stream.indirect.gather [hbm4b:s0+s11], $0x80, s25, s11, $0xb8;
	[tilespmem:$0x1E880] =	vst v63  }
0xee: {  	_ =	swait.ge [sflag:s14], $0x4000  }
0xef: {  	[sflag:s14] =	ssyncset.done $0x0  }
0xf0: {  	s25 =	rddreg [dreg:$0x11];
	[sflag:s14] =	ssyncadd.s32 $0xFFFFC000  }
0xf1: {  	[spmem:s2] =	stream.indirect.scatter.add.f32 [tilespmem:s12], [sflag:$0x3], $0x80, s25, s11, $0xb8;
	[tilespmem:$0x1E880] =	vst v63  }
0xf2: {  	_ =	swait.ge [sflag:s9], $0x4000  }
0xf3: {  	[sflag:s9] =	ssyncset.done $0x0  }
0xf4: {  	[sflag:s9] =	ssyncadd.s32 $0xFFFFC000  }
0xf5: {  	[tilespmem:s12], [sflag:$0x1] =	stream.indirect.gather [hbm4b:s0+s11], $0x80, s16, s11, $0xb8;
	[tilespmem:$0x1E880] =	vst v63  }
0xf6: {  	_ =	swait.ge [sflag:s15], $0x4000  }
0xf7: {  	[sflag:s15] =	ssyncset.done $0x0  }
0xf8: {  	[sflag:s15] =	ssyncadd.s32 $0xFFFFC000  }
0xf9: {  	[spmem:s2] =	stream.indirect.scatter.add.f32 [tilespmem:s13], [sflag:$0x3], $0x80, s17, s11, $0xb8;
	[tilespmem:$0x1E880] =	vst v63  }
0xfa: {  	_ =	swait.ge [sflag:s9], $0x4000  }
0xfb: {  	[sflag:s9] =	ssyncset.done $0x0  }
0xfc: {  	[sflag:s9] =	ssyncadd.s32 $0xFFFFC000  }
0xfd: {  	[tilespmem:s13], [sflag:$0x2] =	stream.indirect.gather [hbm4b:s0+s11], $0x80, s18, s11, $0xb8;
	[tilespmem:$0x1E880] =	vst v63  }
0xfe: {  	_ =	swait.ge [sflag:s14], $0x4000  }
0xff: {  	[sflag:s14] =	ssyncset.done $0x0  }
0x100: {  	[sflag:s14] =	ssyncadd.s32 $0xFFFFC000  }
0x101: {  	[spmem:s2] =	stream.indirect.scatter.add.f32 [tilespmem:s12], [sflag:$0x3], $0x80, s19, s11, $0xb8;
	[tilespmem:$0x1E880] =	vst v63  }
0x102: {  	_ =	swait.ge [sflag:s9], $0x4000  }
0x103: {  	[sflag:s9] =	ssyncset.done $0x0  }
0x104: {  	[sflag:s9] =	ssyncadd.s32 $0xFFFFC000  }
0x105: {  	[tilespmem:s12], [sflag:$0x1] =	stream.indirect.gather [hbm4b:s0+s11], $0x80, s20, s11, $0xb8;
	[tilespmem:$0x1E880] =	vst v63  }
0x106: {  	_ =	swait.ge [sflag:s15], $0x4000  }
0x107: {  	[sflag:s15] =	ssyncset.done $0x0  }
0x108: {  	[sflag:s15] =	ssyncadd.s32 $0xFFFFC000  }
0x109: {  	[spmem:s2] =	stream.indirect.scatter.add.f32 [tilespmem:s13], [sflag:$0x3], $0x80, s21, s11, $0xb8;
	[tilespmem:$0x1E880] =	vst v63  }
0x10a: {  	_ =	swait.ge [sflag:s9], $0x4000  }
0x10b: {  	[sflag:s9] =	ssyncset.done $0x0  }
0x10c: {  	[sflag:s9] =	ssyncadd.s32 $0xFFFFC000  }
0x10d: {  	[tilespmem:s13], [sflag:$0x2] =	stream.indirect.gather [hbm4b:s0+s11], $0x80, s22, s11, $0xb8;
	[tilespmem:$0x1E880] =	vst v63  }
0x10e: {  	_ =	swait.ge [sflag:s14], $0x4000  }
0x10f: {  	[sflag:s14] =	ssyncset.done $0x0  }
0x110: {  	[sflag:s14] =	ssyncadd.s32 $0xFFFFC000  }
0x111: {  	[spmem:s2] =	stream.indirect.scatter.add.f32 [tilespmem:s12], [sflag:$0x3], $0x80, s23, s11, $0xb8;
	[tilespmem:$0x1E880] =	vst v63  }
0x112: {  	_ =	swait.ge [sflag:s9], $0x4000  }
0x113: {  	[sflag:s9] =	ssyncset.done $0x0  }
0x114: {  	[sflag:s9] =	ssyncadd.s32 $0xFFFFC000  }
0x115: {  	[tilespmem:s12], [sflag:$0x1] =	stream.indirect.gather [hbm4b:s0+s11], $0x80, s24, s11, $0xb8;
	[tilespmem:$0x1E880] =	vst v63  }
0x116: {  	_ =	swait.ge [sflag:s15], $0x4000  }
0x117: {  	[sflag:s15] =	ssyncset.done $0x0  }
0x118: {  	[sflag:s15] =	ssyncadd.s32 $0xFFFFC000  }
0x119: {  	[spmem:s2] =	stream.indirect.scatter.add.f32 [tilespmem:s13], [sflag:$0x3], $0x80, s26, s11, $0xb8;
	[tilespmem:$0x1E880] =	vst v63  }
0x11a: {  	_ =	swait.ge [sflag:s9], $0x4000  }
0x11b: {  	[sflag:s9] =	ssyncset.done $0x0  }
0x11c: {  	[sflag:s9] =	ssyncadd.s32 $0xFFFFC000  }
0x11d: {  	[tilespmem:s13], [sflag:$0x2] =	stream.indirect.gather [hbm4b:s0+s11], $0x80, s28, s11, $0xb8;
	[tilespmem:$0x1E880] =	vst v63  }
0x11e: {  	_ =	swait.ge [sflag:s14], $0x4000  }
0x11f: {  	[sflag:s14] =	ssyncset.done $0x0  }
0x120: {  	[sflag:s14] =	ssyncadd.s32 $0xFFFFC000  }
0x121: {  	[spmem:s2] =	stream.indirect.scatter.add.f32 [tilespmem:s12], [sflag:$0x3], $0x80, s29, s11, $0xb8;
	[tilespmem:$0x1E880] =	vst v63  }
0x122: {  	_ =	swait.ge [sflag:s9], $0x4000  }
0x123: {  	[sflag:s9] =	ssyncset.done $0x0  }
0x124: {  	[sflag:s9] =	ssyncadd.s32 $0xFFFFC000  }
0x125: {  	[tilespmem:s12], [sflag:$0x1] =	stream.indirect.gather [hbm4b:s0+s11], $0x80, s30, s11, $0xb8;
	[tilespmem:$0x1E880] =	vst v63  }
0x126: {  	_ =	swait.ge [sflag:s15], $0x4000  }
0x127: {  	[sflag:s15] =	ssyncset.done $0x0  }
0x128: {  	[sflag:s15] =	ssyncadd.s32 $0xFFFFC000  }
0x129: {  	[spmem:s2] =	stream.indirect.scatter.add.f32 [tilespmem:s13], [sflag:$0x3], $0x80, s31, s11, $0xb8;
	[tilespmem:$0x1E880] =	vst v63  }
0x12a: {  	_ =	swait.ge [sflag:s9], $0x4000  }
0x12b: {  	[sflag:s9] =	ssyncset.done $0x0  }
0x12c: {  	[sflag:s9] =	ssyncadd.s32 $0xFFFFC000  }
0x12d: {  	[tilespmem:s13], [sflag:$0x2] =	stream.indirect.gather [hbm4b:s0+s11], $0x80, s1, s11, $0xb8;
	[tilespmem:$0x1E880] =	vst v63  }
0x12e: {  	_ =	swait.ge [sflag:s14], $0x4000  }
0x12f: {  	[sflag:s14] =	ssyncset.done $0x0  }
0x130: {  	[sflag:s14] =	ssyncadd.s32 $0xFFFFC000  }
0x131: {  	[spmem:s2] =	stream.indirect.scatter.add.f32 [tilespmem:s12], [sflag:$0x3], $0x80, s3, s11, $0xb8;
	[tilespmem:$0x1E880] =	vst v63  }
0x132: {  	_ =	swait.ge [sflag:s9], $0x4000  }
0x133: {  	[sflag:s9] =	ssyncset.done $0x0  }
0x134: {  	[sflag:s9] =	ssyncadd.s32 $0xFFFFC000  }
0x135: {  	p1 =	sne.s32 s8, $0x400;
	_ =	swait.ge [sflag:s15], $0x4000  }
.Ltmp0:
0x136: {  	[sflag:s15] =	ssyncset.done $0x0;
	(pc) =	sbr.rel @p1 .LBB2_2-.Ltmp0, $4  }
0x137: {  	[sflag:s15] =	ssyncadd.s32 $0xFFFFC000  }
0x138: {  	[spmem:s2] =	stream.indirect.scatter.add.f32 [tilespmem:s13], [sflag:$0x3], $0x80, s5, s11, $0xb8;
	[tilespmem:$0x1E880] =	vst v63  }
0x139: {  	s6 =	smov.u32 s8;
	s8 =	sadd.s32 $0x100, s8;
	_ =	swait.ge [sflag:s9], $0x4000  }
0x13a: {  	s7 =	smov.u32 s6;
	s25 =	rddreg [dreg:$0x4];
	[sflag:s9] =	ssyncset.done $0x0  }
0x13b: {  	[sflag:s9] =	ssyncadd.s32 $0xFFFFC000;
	s6 =	sadd.s32 s7, s25  }
0x13c: {  	[tilespmem:s4], [sflag:$0x3] =	stream.linear.gather [hbm4b:s6+s4], $0x800, $0x38;
	[tilespmem:$0x1E880] =	vst v63  }
0x13d: {  	_ =	swait.ge [sflag:s9], $0x800  }
0x13e: {  	s25 =	rddreg [dreg:$0x5];
	[sflag:s9] =	ssyncset.done $0x0  }
0x13f: {  	s6 =	sadd.s32 s7, s25;
	[sflag:s9] =	ssyncadd.s32 $0xFFFFF800  }
0x140: {  	[tilespmem:s10], [sflag:$0x3] =	stream.linear.gather [hbm4b:s6+s4], $0x800, $0x38;
	[tilespmem:$0x1E880] =	vst v63  }
0x141: {  	_ =	swait.ge [sflag:s9], $0x800  }
0x142: {  	[sflag:s9] =	ssyncset.done $0x0  }
0x143: {  	[sflag:s9] =	ssyncadd.s32 $0xFFFFF800  }
0x144: {  	[tilespmem:s12], [sflag:$0x1] =	stream.indirect.gather [hbm4b:s0+s11], $0x80, s4, s11, $0xb8;
	[tilespmem:$0x1E880] =	vst v63  }
0x145: {  	_ = 	snop  }
0x146: {  	[tilespmem:s13], [sflag:$0x2] =	stream.indirect.gather [hbm4b:s0+s11], $0x80, s11, s11, $0xb8;
	[tilespmem:$0x1E880] =	vst v63  }
0x147: {  	_ =	swait.ge [sflag:s14], $0x4000  }
0x148: {  	[sflag:s14] =	ssyncset.done $0x0  }
0x149: {  	[sflag:s14] =	ssyncadd.s32 $0xFFFFC000  }
0x14a: {  	[spmem:s2] =	stream.indirect.scatter.add.f32 [tilespmem:s12], [sflag:$0x3], $0x80, s10, s11, $0xb8;
	[tilespmem:$0x1E880] =	vst v63  }
0x14b: {  	_ =	swait.ge [sflag:s9], $0x4000  }
0x14c: {  	[sflag:s9] =	ssyncset.done $0x0  }
0x14d: {  	s8 =	rddreg [dreg:$0x6];
	[sflag:s9] =	ssyncadd.s32 $0xFFFFC000  }
0x14e: {  	[tilespmem:s12], [sflag:$0x1] =	stream.indirect.gather [hbm4b:s0+s11], $0x80, s8, s11, $0xb8;
	[tilespmem:$0x1E880] =	vst v63  }
0x14f: {  	_ =	swait.ge [sflag:s15], $0x4000  }
0x150: {  	[sflag:s15] =	ssyncset.done $0x0  }
0x151: {  	s25 =	rddreg [dreg:$0x7];
	[sflag:s15] =	ssyncadd.s32 $0xFFFFC000  }
0x152: {  	[spmem:s2] =	stream.indirect.scatter.add.f32 [tilespmem:s13], [sflag:$0x3], $0x80, s25, s11, $0xb8;
	[tilespmem:$0x1E880] =	vst v63  }
0x153: {  	_ =	swait.ge [sflag:s9], $0x4000  }
0x154: {  	[sflag:s9] =	ssyncset.done $0x0  }
0x155: {  	s7 =	rddreg [dreg:$0x8];
	[sflag:s9] =	ssyncadd.s32 $0xFFFFC000  }
0x156: {  	[tilespmem:s13], [sflag:$0x2] =	stream.indirect.gather [hbm4b:s0+s11], $0x80, s7, s11, $0xb8;
	[tilespmem:$0x1E880] =	vst v63  }
0x157: {  	_ =	swait.ge [sflag:s14], $0x4000  }
0x158: {  	[sflag:s14] =	ssyncset.done $0x0  }
0x159: {  	s8 =	rddreg [dreg:$0x9];
	[sflag:s14] =	ssyncadd.s32 $0xFFFFC000  }
0x15a: {  	[spmem:s2] =	stream.indirect.scatter.add.f32 [tilespmem:s12], [sflag:$0x3], $0x80, s8, s11, $0xb8;
	[tilespmem:$0x1E880] =	vst v63  }
0x15b: {  	_ =	swait.ge [sflag:s9], $0x4000  }
0x15c: {  	[sflag:s9] =	ssyncset.done $0x0  }
0x15d: {  	s25 =	rddreg [dreg:$0xa];
	[sflag:s9] =	ssyncadd.s32 $0xFFFFC000  }
0x15e: {  	[tilespmem:s12], [sflag:$0x1] =	stream.indirect.gather [hbm4b:s0+s11], $0x80, s25, s11, $0xb8;
	[tilespmem:$0x1E880] =	vst v63  }
0x15f: {  	_ =	swait.ge [sflag:s15], $0x4000  }
0x160: {  	[sflag:s15] =	ssyncset.done $0x0  }
0x161: {  	s7 =	rddreg [dreg:$0xb];
	[sflag:s15] =	ssyncadd.s32 $0xFFFFC000  }
0x162: {  	[spmem:s2] =	stream.indirect.scatter.add.f32 [tilespmem:s13], [sflag:$0x3], $0x80, s7, s11, $0xb8;
	[tilespmem:$0x1E880] =	vst v63  }
0x163: {  	_ =	swait.ge [sflag:s9], $0x4000  }
0x164: {  	[sflag:s9] =	ssyncset.done $0x0  }
0x165: {  	s8 =	rddreg [dreg:$0xc];
	[sflag:s9] =	ssyncadd.s32 $0xFFFFC000  }
0x166: {  	[tilespmem:s13], [sflag:$0x2] =	stream.indirect.gather [hbm4b:s0+s11], $0x80, s8, s11, $0xb8;
	[tilespmem:$0x1E880] =	vst v63  }
0x167: {  	_ =	swait.ge [sflag:s14], $0x4000  }
0x168: {  	[sflag:s14] =	ssyncset.done $0x0  }
0x169: {  	s25 =	rddreg [dreg:$0xd];
	[sflag:s14] =	ssyncadd.s32 $0xFFFFC000  }
0x16a: {  	[spmem:s2] =	stream.indirect.scatter.add.f32 [tilespmem:s12], [sflag:$0x3], $0x80, s25, s11, $0xb8;
	[tilespmem:$0x1E880] =	vst v63  }
0x16b: {  	_ =	swait.ge [sflag:s9], $0x4000  }
0x16c: {  	[sflag:s9] =	ssyncset.done $0x0  }
0x16d: {  	s7 =	rddreg [dreg:$0xe];
	[sflag:s9] =	ssyncadd.s32 $0xFFFFC000  }
0x16e: {  	[tilespmem:s12], [sflag:$0x1] =	stream.indirect.gather [hbm4b:s0+s11], $0x80, s7, s11, $0xb8;
	[tilespmem:$0x1E880] =	vst v63  }
0x16f: {  	_ =	swait.ge [sflag:s15], $0x4000  }
0x170: {  	[sflag:s15] =	ssyncset.done $0x0  }
0x171: {  	s8 =	rddreg [dreg:$0xf];
	[sflag:s15] =	ssyncadd.s32 $0xFFFFC000  }
0x172: {  	[spmem:s2] =	stream.indirect.scatter.add.f32 [tilespmem:s13], [sflag:$0x3], $0x80, s8, s11, $0xb8;
	[tilespmem:$0x1E880] =	vst v63  }
0x173: {  	_ =	swait.ge [sflag:s9], $0x4000  }
0x174: {  	[sflag:s9] =	ssyncset.done $0x0  }
0x175: {  	s25 =	rddreg [dreg:$0x10];
	[sflag:s9] =	ssyncadd.s32 $0xFFFFC000  }
0x176: {  	[tilespmem:s13], [sflag:$0x2] =	stream.indirect.gather [hbm4b:s0+s11], $0x80, s25, s11, $0xb8;
	[tilespmem:$0x1E880] =	vst v63  }
0x177: {  	_ =	swait.ge [sflag:s14], $0x4000  }
0x178: {  	[sflag:s14] =	ssyncset.done $0x0  }
0x179: {  	s7 =	rddreg [dreg:$0x11];
	[sflag:s14] =	ssyncadd.s32 $0xFFFFC000  }
0x17a: {  	[spmem:s2] =	stream.indirect.scatter.add.f32 [tilespmem:s12], [sflag:$0x3], $0x80, s7, s11, $0xb8;
	[tilespmem:$0x1E880] =	vst v63  }
0x17b: {  	_ =	swait.ge [sflag:s9], $0x4000  }
0x17c: {  	[sflag:s9] =	ssyncset.done $0x0  }
0x17d: {  	[sflag:s9] =	ssyncadd.s32 $0xFFFFC000  }
0x17e: {  	[tilespmem:s12], [sflag:$0x1] =	stream.indirect.gather [hbm4b:s0+s11], $0x80, s16, s11, $0xb8;
	[tilespmem:$0x1E880] =	vst v63  }
0x17f: {  	_ =	swait.ge [sflag:s15], $0x4000  }
0x180: {  	[sflag:s15] =	ssyncset.done $0x0  }
0x181: {  	[sflag:s15] =	ssyncadd.s32 $0xFFFFC000  }
0x182: {  	[spmem:s2] =	stream.indirect.scatter.add.f32 [tilespmem:s13], [sflag:$0x3], $0x80, s17, s11, $0xb8;
	[tilespmem:$0x1E880] =	vst v63  }
0x183: {  	_ =	swait.ge [sflag:s9], $0x4000  }
0x184: {  	[sflag:s9] =	ssyncset.done $0x0  }
0x185: {  	[sflag:s9] =	ssyncadd.s32 $0xFFFFC000  }
0x186: {  	[tilespmem:s13], [sflag:$0x2] =	stream.indirect.gather [hbm4b:s0+s11], $0x80, s18, s11, $0xb8;
	[tilespmem:$0x1E880] =	vst v63  }
0x187: {  	_ =	swait.ge [sflag:s14], $0x4000  }
0x188: {  	[sflag:s14] =	ssyncset.done $0x0  }
0x189: {  	[sflag:s14] =	ssyncadd.s32 $0xFFFFC000  }
0x18a: {  	[spmem:s2] =	stream.indirect.scatter.add.f32 [tilespmem:s12], [sflag:$0x3], $0x80, s19, s11, $0xb8;
	[tilespmem:$0x1E880] =	vst v63  }
0x18b: {  	_ =	swait.ge [sflag:s9], $0x4000  }
0x18c: {  	[sflag:s9] =	ssyncset.done $0x0  }
0x18d: {  	[sflag:s9] =	ssyncadd.s32 $0xFFFFC000  }
0x18e: {  	[tilespmem:s12], [sflag:$0x1] =	stream.indirect.gather [hbm4b:s0+s11], $0x80, s20, s11, $0xb8;
	[tilespmem:$0x1E880] =	vst v63  }
0x18f: {  	_ =	swait.ge [sflag:s15], $0x4000  }
0x190: {  	[sflag:s15] =	ssyncset.done $0x0  }
0x191: {  	[sflag:s15] =	ssyncadd.s32 $0xFFFFC000  }
0x192: {  	[spmem:s2] =	stream.indirect.scatter.add.f32 [tilespmem:s13], [sflag:$0x3], $0x80, s21, s11, $0xb8;
	[tilespmem:$0x1E880] =	vst v63  }
0x193: {  	_ =	swait.ge [sflag:s9], $0x4000  }
0x194: {  	[sflag:s9] =	ssyncset.done $0x0  }
0x195: {  	[sflag:s9] =	ssyncadd.s32 $0xFFFFC000  }
0x196: {  	[tilespmem:s13], [sflag:$0x2] =	stream.indirect.gather [hbm4b:s0+s11], $0x80, s22, s11, $0xb8;
	[tilespmem:$0x1E880] =	vst v63  }
0x197: {  	_ =	swait.ge [sflag:s14], $0x4000  }
0x198: {  	[sflag:s14] =	ssyncset.done $0x0  }
0x199: {  	[sflag:s14] =	ssyncadd.s32 $0xFFFFC000  }
0x19a: {  	[spmem:s2] =	stream.indirect.scatter.add.f32 [tilespmem:s12], [sflag:$0x3], $0x80, s23, s11, $0xb8;
	[tilespmem:$0x1E880] =	vst v63  }
0x19b: {  	_ =	swait.ge [sflag:s9], $0x4000  }
0x19c: {  	[sflag:s9] =	ssyncset.done $0x0  }
0x19d: {  	[sflag:s9] =	ssyncadd.s32 $0xFFFFC000  }
0x19e: {  	[tilespmem:s12], [sflag:$0x1] =	stream.indirect.gather [hbm4b:s0+s11], $0x80, s24, s11, $0xb8;
	[tilespmem:$0x1E880] =	vst v63  }
0x19f: {  	_ =	swait.ge [sflag:s15], $0x4000  }
0x1a0: {  	[sflag:s15] =	ssyncset.done $0x0  }
0x1a1: {  	[sflag:s15] =	ssyncadd.s32 $0xFFFFC000  }
0x1a2: {  	[spmem:s2] =	stream.indirect.scatter.add.f32 [tilespmem:s13], [sflag:$0x3], $0x80, s26, s11, $0xb8;
	[tilespmem:$0x1E880] =	vst v63  }
0x1a3: {  	_ =	swait.ge [sflag:s9], $0x4000  }
0x1a4: {  	[sflag:s9] =	ssyncset.done $0x0  }
0x1a5: {  	[sflag:s9] =	ssyncadd.s32 $0xFFFFC000  }
0x1a6: {  	[tilespmem:s13], [sflag:$0x2] =	stream.indirect.gather [hbm4b:s0+s11], $0x80, s28, s11, $0xb8;
	[tilespmem:$0x1E880] =	vst v63  }
0x1a7: {  	_ =	swait.ge [sflag:s14], $0x4000  }
0x1a8: {  	[sflag:s14] =	ssyncset.done $0x0  }
0x1a9: {  	[sflag:s14] =	ssyncadd.s32 $0xFFFFC000  }
0x1aa: {  	[spmem:s2] =	stream.indirect.scatter.add.f32 [tilespmem:s12], [sflag:$0x3], $0x80, s29, s11, $0xb8;
	[tilespmem:$0x1E880] =	vst v63  }
0x1ab: {  	_ =	swait.ge [sflag:s9], $0x4000  }
0x1ac: {  	[sflag:s9] =	ssyncset.done $0x0  }
0x1ad: {  	[sflag:s9] =	ssyncadd.s32 $0xFFFFC000  }
0x1ae: {  	[tilespmem:s12], [sflag:$0x1] =	stream.indirect.gather [hbm4b:s0+s11], $0x80, s30, s11, $0xb8;
	[tilespmem:$0x1E880] =	vst v63  }
0x1af: {  	_ =	swait.ge [sflag:s15], $0x4000  }
0x1b0: {  	[sflag:s15] =	ssyncset.done $0x0  }
0x1b1: {  	[sflag:s15] =	ssyncadd.s32 $0xFFFFC000  }
0x1b2: {  	[spmem:s2] =	stream.indirect.scatter.add.f32 [tilespmem:s13], [sflag:$0x3], $0x80, s31, s11, $0xb8;
	[tilespmem:$0x1E880] =	vst v63  }
0x1b3: {  	_ =	swait.ge [sflag:s9], $0x4000  }
0x1b4: {  	[sflag:s9] =	ssyncset.done $0x0  }
0x1b5: {  	[sflag:s9] =	ssyncadd.s32 $0xFFFFC000  }
0x1b6: {  	[tilespmem:s13], [sflag:$0x2] =	stream.indirect.gather [hbm4b:s0+s11], $0x80, s1, s11, $0xb8;
	[tilespmem:$0x1E880] =	vst v63  }
0x1b7: {  	_ =	swait.ge [sflag:s14], $0x4000  }
0x1b8: {  	[sflag:s14] =	ssyncset.done $0x0  }
0x1b9: {  	[sflag:s14] =	ssyncadd.s32 $0xFFFFC000  }
0x1ba: {  	[spmem:s2] =	stream.indirect.scatter.add.f32 [tilespmem:s12], [sflag:$0x3], $0x80, s3, s11, $0xb8;
	[tilespmem:$0x1E880] =	vst v63  }
0x1bb: {  	_ =	swait.ge [sflag:s9], $0x4000  }
0x1bc: {  	[sflag:s9] =	ssyncset.done $0x0  }
0x1bd: {  	[sflag:s9] =	ssyncadd.s32 $0xFFFFC000  }
0x1be: {  	_ =	swait.ge [sflag:s15], $0x4000  }
0x1bf: {  	[sflag:s15] =	ssyncset.done $0x0  }
0x1c0: {  	[sflag:s15] =	ssyncadd.s32 $0xFFFFC000  }
0x1c1: {  	[spmem:s2] =	stream.indirect.scatter.add.f32 [tilespmem:s13], [sflag:$0x3], $0x80, s5, s11, $0xb8;
	[tilespmem:$0x1E880] =	vst v63  }
0x1c2: {  	_ =	swait.ge [sflag:s9], $0x4000  }
0x1c3: {  	[sflag:s9] =	ssyncset.done $0x0  }
0x1c4: {  	[sflag:s9] =	ssyncadd.s32 $0xFFFFC000  }
0x1c5: {  	s8 =	stileid.u32;
	[bflag:$0x0] =	sbarrier.arrive $0xFFFF  }
0x1c6: {  	s6 =	sshll.u32 s8, $0x6;
	s25 =	rddreg [dreg:$0x13]  }
0x1c7: {  	s6 =	sor.u32 $0x1C03, s6;
	s8 =	rddreg [dreg:$0x16]  }
0x1c8: {  	[hbm:s25], [sflag:s6] =	dma.local [spmem:s8], $0x2710  }
0x1c9: {  	_ =	swait.ge [sflag:s9], $0x2710  }
0x1ca: {  	s8 =	rddreg [dreg:$0x17]  }
0x1cb: {  	s25 =	rddreg [dreg:$0x14];
	s7 =	sadd.s32 $0x1, s8  }
0x1cc: {  	p1 =	sne.s32 s7, s25  }
.Ltmp1:
0x1cd: {  	_ = 	snop;
	(pc) =	sbr.rel @p1 .LBB2_1-.Ltmp1, $3  }
0x1ce: {  	_ =	sdelay $0x1  }
0x1cf: {  	[sflag:s9] =	ssyncset.done $0x0  }
0x1d0: {  	[sflag:s9] =	ssyncadd.s32 $0xFFFFD8F0  }
0x1d1: {  	_ =	sfence.sel $0x180000  }
0x1d2: {  	[bflag:$0x0] =	sbarrier.arrive $0xFFFF  }
0x1d3: {  	_ =	strace $0x9000004A  }
0x1d4: {  	[bflag:$0x2] =	sbarrier.arrive $0xFFFF  }
0x1d5: {  	s0 =	rddreg [dreg:$0x3]  }
0x1d6: {  	s0 =	sadd.s32 @!p0 $0x100000, s0  }
0x1d7: {  	[sflag:s0] =	ssyncadd.tile.s32 @!p0 $0x1;
	_ =	shalt  }
.Lfunc_end2:
_tile_overlayer_lowered:
.L_overlay_start_2:
0x1d8: {  	(tag) =	ssettag $0x2  }
0x1d9: {  	s0 =	rddreg [dreg:$0x0];
	s2 =	stileid.u32  }
0x1da: {  	s1 =	rddreg [dreg:$0x1];
	p0 =	sne.s32 s2, $0x0  }
0x1db: {  	s3 =	rddreg [dreg:$0x2];
	[bflag:$0x3] =	sbarrier.arrive $0xFFFF;
	s2 =	simm.s32 @!p0 $0x1C03  }
0x1dc: {  	[timem:s3], [sflag:s2] =	dma.local @!p0 [hbm:s0], s1  }
0x1dd: {  	s0 =	simm.s32 @!p0 $0x3  }
0x1de: {  	_ =	swait.ge @!p0 [sflag:s0], s1  }
0x1df: {  	s1 =	ssub.s32 @!p0 $0x0, s1;
	[sflag:s0] =	ssyncset.done @!p0 $0x0  }
0x1e0: {  	[sflag:s0] =	ssyncadd.s32 @!p0 s1  }
0x1e1: {  	[bflag:$0x3] =	sbarrier.arrive $0xFFFF  }
0x1e2: {  	_ =	shalt  }

</sc_bundles>
